<compile_context>
chip_gen: v7x
topology: tpu7x:2x2x1
jax: 0.10.2.dev20260603
libtpu: 0.0.44.dev20260713+nightly
codegen_flags: <defaults>
</compile_context>

<pallas_src>
import functools

import jax
import jax.numpy as jnp
from jax import lax
from jax.experimental import pallas as pl
from jax.experimental.pallas import tpu as pltpu
from jax.experimental.pallas import tpu_sc as plsc

Q = 1024
N = 65536
D = 256
QB = 256
KB = 2048

KNN = 30
NW = 32
ROWS_PER_W = Q // NW
CAPL = 64
CAP = 224
CBUF = 16 * CAPL + 16
BIG = 3.0e38


def _dist_body(q_ref, k_ref, out_ref):
    q = q_ref[...]
    k = k_ref[...]
    q2 = jnp.sum(q * q, axis=1, keepdims=True)
    ones = jnp.ones((8, D), jnp.float32)
    k2row = lax.dot_general(ones, k * k, (((1,), (1,)), ((), ())),
                            preferred_element_type=jnp.float32)
    qk = lax.dot_general(q, k, (((1,), (1,)), ((), ())),
                         preferred_element_type=jnp.float32)
    out_ref[...] = (q2 + k2row[0:1, :]) - 2.0 * qk


def _sq_distances(queries, keys):
    grid = (N // KB, Q // QB)
    return pl.pallas_call(
        _dist_body,
        grid=grid,
        in_specs=[
            pl.BlockSpec((QB, D), lambda j, i: (i, 0)),
            pl.BlockSpec((KB, D), lambda j, i: (j, 0)),
        ],
        out_specs=pl.BlockSpec((QB, KB), lambda j, i: (i, j)),
        out_shape=jax.ShapeDtypeStruct((Q, N), jnp.float32),
    )(queries, keys)


def _extract_top30(candbuf, w, iota16):
    nv = (w + 15) // 16
    bigv = jnp.full((16,), BIG)

    def scan_min(i, acc):
        v = candbuf[pl.ds(i * 16, 16)]
        lm = (i * 16 + iota16) < w
        return jnp.minimum(acc, jnp.where(lm, v, bigv))

    def cond(state):
        remaining, _, _, _ = state
        return remaining > 0

    def body(state):
        remaining, o0, o1, _ = state
        m = jnp.min(lax.fori_loop(0, nv, scan_min, bigv))
        mv = jnp.full((16,), m)

        def rm_body(i, c):
            v = candbuf[pl.ds(i * 16, 16)]
            lm = (i * 16 + iota16) < w
            vm = jnp.where(lm, v, bigv)
            eq = vm == mv
            candbuf[pl.ds(i * 16, 16)] = jnp.where(eq, bigv, vm)
            return c + jnp.sum(eq.astype(jnp.int32))

        c = lax.fori_loop(0, nv, rm_body, jnp.int32(0))
        cc = jnp.minimum(c, remaining)
        pos0 = KNN - remaining
        sel0 = (iota16 >= pos0) & (iota16 < pos0 + cc)
        sel1 = (iota16 + 16 >= pos0) & (iota16 + 16 < pos0 + cc)
        o0 = jnp.where(sel0, mv, o0)
        o1 = jnp.where(sel1, mv, o1)
        return remaining - cc, o0, o1, m

    zero = jnp.zeros((16,), jnp.float32)
    state = (jnp.int32(KNN), zero, zero, jnp.float32(0.0))
    _, o0, o1, last_m = lax.while_loop(cond, body, state)
    return o0, o1, last_m


HALF = N // 2
IDXM = 16 * CAPL - 1


def _sc_body(sq_hbm, out_hbm, rowbuf, candbuf, buf2, outbuf, sem):
    wid = lax.axis_index("s") * 2 + lax.axis_index("c")
    iota16 = lax.iota(jnp.int32, 16)
    bigv = jnp.full((16,), BIG)
    zi = jnp.zeros((16,), jnp.int32)
    row0 = wid * ROWS_PER_W

    def row_body(j, carry):
        pltpu.async_copy(sq_hbm.at[row0 + j], rowbuf, sem).wait()

        @plsc.parallel_loop(0, N // 32, unroll=8, carry=(bigv, bigv))
        def p1_accs(i, accs):
            a0, a1 = accs
            a0 = jnp.minimum(a0, rowbuf[pl.ds(i * 16, 16)])
            a1 = jnp.minimum(a1, rowbuf[pl.ds(HALF + i * 16, 16)])
            return a0, a1

        a0, a1 = p1_accs
        m32 = jnp.maximum(jnp.max(a0), jnp.max(a1))
        mv = jnp.full((16,), m32)

        @plsc.parallel_loop(0, N // 16, unroll=16, carry=zi)
        def p2_cnt(i, cnt):
            v = rowbuf[pl.ds(i * 16, 16)]
            mask = v <= mv
            idx = (iota16 + (cnt << 4)) & IDXM
            plsc.store_scatter(candbuf, [idx], v, mask=mask)
            return cnt + mask.astype(jnp.int32)

        cnt = p2_cnt
        maxc = jnp.max(cnt)

        def fast_path():
            def cb(jv, w):
                v = candbuf[pl.ds(jv * 16, 16)]
                valid = cnt > jv
                pos = jnp.cumsum(valid.astype(jnp.int32))
                plsc.store_scatter(buf2, [(w - 1) + pos], v, mask=valid)
                return w + jnp.max(pos)

            w = lax.fori_loop(0, maxc, cb, jnp.int32(0))
            return _extract_top30(buf2, w, iota16)

        def slow_path():
            def append4(base, w):
                for t in range(4):
                    v = rowbuf[pl.ds(base + t * 16, 16)]
                    mask = v <= mv
                    pos = jnp.cumsum(mask.astype(jnp.int32))
                    plsc.store_scatter(buf2, [(w - 1) + pos], v, mask=mask)
                    w = w + jnp.max(pos)
                return w

            def compress(w):
                o0, o1, _ = _extract_top30(buf2, w, iota16)
                buf2[pl.ds(0, 16)] = o0
                buf2[pl.ds(16, 16)] = o1
                return jnp.int32(KNN)

            def p2e(g, w):
                base = g * 64
                v0 = rowbuf[pl.ds(base, 16)]
                v1 = rowbuf[pl.ds(base + 16, 16)]
                v2 = rowbuf[pl.ds(base + 32, 16)]
                v3 = rowbuf[pl.ds(base + 48, 16)]
                mn = jnp.minimum(jnp.minimum(v0, v1),
                                 jnp.minimum(v2, v3))
                hit = jnp.any(mn <= mv)
                w = lax.cond(hit, lambda w_: append4(base, w_),
                             lambda w_: w_, w)
                w = lax.cond(w >= CAP, compress, lambda w_: w_, w)
                return w

            w = lax.fori_loop(0, N // 64, p2e, jnp.int32(0))
            return _extract_top30(buf2, w, iota16)

        o0, o1, _ = lax.cond(maxc <= CAPL, fast_path, slow_path)
        outbuf[pl.ds(0, 16)] = o0
        outbuf[pl.ds(16, 16)] = o1
        pltpu.sync_copy(outbuf, out_hbm.at[row0 + j])
        return carry

    lax.fori_loop(0, ROWS_PER_W, row_body, jnp.int32(0))


def _sc_top30(sq):
    mesh = plsc.VectorSubcoreMesh(core_axis_name="c", subcore_axis_name="s")
    f = functools.partial(
        pl.kernel, _sc_body, mesh=mesh,
        compiler_params=pltpu.CompilerParams(needs_layout_passes=False),
        out_type=jax.ShapeDtypeStruct((Q, 32), jnp.float32),
        scratch_types=[
            pltpu.VMEM((N,), jnp.float32),
            pltpu.VMEM((16 * CAPL,), jnp.float32),
            pltpu.VMEM((CBUF,), jnp.float32),
            pltpu.VMEM((32,), jnp.float32),
            pltpu.SemaphoreType.DMA,
        ],
    )
    return f()(sq)


def _alpha_body(q_ref, pW1_ref, pb1_ref, pW2_ref, pb2_ref, pW3_ref,
                pb3_ref, tW1_ref, tb1_ref, tW2_ref, tb2_ref, tW3_ref,
                tb3_ref, out_ref):
    L = 5.0
    q = q_ref[...]

    def mlp(W1, b1, W2, b2, W3, b3s):
        h = lax.dot_general(q, W1, (((1,), (1,)), ((), ())),
                            preferred_element_type=jnp.float32) + b1
        h = jnp.maximum(h, 0.0)
        h = lax.dot_general(h, W2, (((1,), (1,)), ((), ())),
                            preferred_element_type=jnp.float32) + b2
        h = jnp.maximum(h, 0.0)
        return jnp.sum(h * W3, axis=1, keepdims=True) + b3s

    t_out = mlp(tW1_ref[...], tb1_ref[...], tW2_ref[...], tb2_ref[...],
                tW3_ref[...], tb3_ref[0, 0])
    p_out = mlp(pW1_ref[...], pb1_ref[...], pW2_ref[...], pb2_ref[...],
                pW3_ref[...], pb3_ref[0, 0])
    pe = (t_out - p_out) ** 2
    mu = jnp.mean(pe)
    var = jnp.mean((pe - mu) ** 2)
    std = jnp.sqrt(var + 1e-8)
    out_ref[...] = jnp.clip(pe / std, 1.0, L)


def _alpha(queries, pW1, pb1, pW2, pb2, pW3, pb3,
           tW1, tb1, tW2, tb2, tW3, tb3):
    args = (queries,
            pW1, pb1.reshape(1, -1), pW2, pb2.reshape(1, -1),
            pW3, pb3.reshape(1, -1),
            tW1, tb1.reshape(1, -1), tW2, tb2.reshape(1, -1),
            tW3, tb3.reshape(1, -1))
    return pl.pallas_call(
        _alpha_body,
        out_shape=jax.ShapeDtypeStruct((Q, 1), jnp.float32),
    )(*args)


def _combine_body(t30_ref, alpha_ref, out_ref):
    eps = 0.001
    dm0 = 0.001
    t30 = t30_ref[...]
    kmask = lax.broadcasted_iota(jnp.int32, (Q, 32), 1) < KNN
    d = jnp.sqrt(jnp.maximum(t30, 1e-12))
    d2 = d * d
    dm = 0.99 * dm0 + 0.01 * (
        jnp.sum(jnp.where(kmask, d2, 0.0), axis=1, keepdims=True) / KNN)
    ksum = jnp.sum(jnp.where(kmask, eps / (d2 / dm + eps), 0.0),
                   axis=1, keepdims=True)
    episodic = 1.0 / jnp.sqrt(ksum + eps)
    out_ref[...] = episodic * alpha_ref[...]


def kernel(queries, keys, pW1, pb1, pW2, pb2, pW3, pb3,
           tW1, tb1, tW2, tb2, tW3, tb3):
    alpha = _alpha(queries, pW1, pb1, pW2, pb2, pW3, pb3,
                   tW1, tb1, tW2, tb2, tW3, tb3)
    sq = _sq_distances(queries, keys)
    t30 = _sc_top30(sq)
    out = pl.pallas_call(
        _combine_body,
        out_shape=jax.ShapeDtypeStruct((Q, 1), jnp.float32),
    )(t30, alpha)
    return out.reshape(Q)

# --- scband reference (transcript-rebuilt; emitter-appended) ---
"""Pipeline reference for scband-rdn-network-24833500905991 (READ-ONLY COPY).

The authoritative reference and input builder live on the scoring server;
editing this copy changes nothing except your own understanding.
"""

import jax, jax.numpy as jnp
import numpy as np


def _mlp(x, W1, b1, W2, b2, W3, b3):
    h = jax.nn.relu(x @ W1.T + b1)
    h = jax.nn.relu(h @ W2.T + b2)
    return h @ W3.T + b3


def _lin_init(k, out_d, in_d):
    bound = 1.0 / np.sqrt(in_d)
    kw, kb = jax.random.split(k)
    W = jax.random.uniform(kw, (out_d, in_d), jnp.float32, -bound, bound)
    b = jax.random.uniform(kb, (out_d,), jnp.float32, -bound, bound)
    return W, b


def setup_inputs(seed: int = 0):
    key = jax.random.key(seed)
    ks = jax.random.split(key, 10)
    d = 256
    fc = 256
    queries = jax.random.normal(ks[0], (1024, d), jnp.float32)
    keys = jax.random.normal(ks[1], (65536, d), jnp.float32)
    pW1, pb1 = _lin_init(ks[2], fc, d)
    pW2, pb2 = _lin_init(ks[3], fc, fc)
    pW3, pb3 = _lin_init(ks[4], 1, fc)
    tW1, tb1 = _lin_init(ks[5], fc, d)
    tW2, tb2 = _lin_init(ks[6], fc, fc)
    tW3, tb3 = _lin_init(ks[7], 1, fc)
    return {"queries": queries, "keys": keys,
            "pW1": pW1, "pb1": pb1, "pW2": pW2, "pb2": pb2, "pW3": pW3, "pb3": pb3,
            "tW1": tW1, "tb1": tb1, "tW2": tW2, "tb2": tb2, "tW3": tW3, "tb3": tb3}


def reference(queries, keys, pW1, pb1, pW2, pb2, pW3, pb3, tW1, tb1, tW2, tb2, tW3, tb3):
    eps = 0.001
    knn = 30
    L = 5.0
    dm0 = 0.001
    # compute_similarity (batched over Q query states): cdist + top-k smallest
    q2 = jnp.sum(queries * queries, axis=1, keepdims=True)
    k2 = jnp.sum(keys * keys, axis=1)
    sq = q2 + k2[None, :] - 2.0 * (queries @ keys.T)
    distances = jnp.sqrt(jnp.maximum(sq, 1e-12))
    neg_vals, _ = jax.lax.top_k(-distances, knn)
    knn_distances = -neg_vals  # [Q, knn] smallest distances
    # dm update: dm = 0.99*dm + 0.01*mean(knn_distances**2)
    dm = 0.99 * dm0 + 0.01 * jnp.mean(knn_distances ** 2, axis=1, keepdims=True)
    kernel_sum = jnp.sum(eps / (knn_distances ** 2 / dm + eps), axis=1)
    similarity = jnp.sqrt(kernel_sum + eps)
    episodic_reward = 1.0 / similarity
    # compute_rnd_alpha (batched): RND prediction error, normalized by batch std
    target_out = jax.lax.stop_gradient(_mlp(queries, tW1, tb1, tW2, tb2, tW3, tb3))
    pred_out = _mlp(queries, pW1, pb1, pW2, pb2, pW3, pb3)
    prediction_error = jnp.mean((target_out - pred_out) ** 2, axis=1)
    std = jnp.sqrt(jnp.var(prediction_error) + 1e-8)
    alpha = prediction_error / std
    intrinsic_reward = episodic_reward * jnp.clip(alpha, 1.0, L)
    return intrinsic_reward

if __name__ == "__main__":
    import jax
    _d = setup_inputs()
    print(jax.jit(kernel)(*tuple(_d.values())))

</pallas_src>

<mosaic_0001>
#map = affine_map<(d0, d1) -> (0, 0)>
module attributes {stable_mosaic.version = 14 : i64} {
  func.func @_sc_body(%arg0: i32, %arg1: i32, %arg2: memref<1024x65536xf32, #tpu.memory_space<hbm>>, %arg3: memref<1024x32xf32, #tpu.memory_space<hbm>>, %arg4: memref<65536xf32, #tpu.memory_space<vmem>>, %arg5: memref<1024xf32, #tpu.memory_space<vmem>>, %arg6: memref<1040xf32, #tpu.memory_space<vmem>>, %arg7: memref<32xf32, #tpu.memory_space<vmem>>, %arg8: memref<!tpu.dma_semaphore, #tpu.memory_space<semaphore_mem>>) attributes {dimension_semantics = [#tpu.dimension_semantics<core_parallel>, #tpu.dimension_semantics<subcore_parallel>], iteration_bounds = array<i64: 2, 16>, scalar_prefetch = 0 : i64, scratch_operands = 5 : i64, tpu.core_type = #tpu.core_type<sc_vector_subcore>, window_params = [{transform_indices = #map}, {transform_indices = #map}]} {
    %mul3A = arith.constant 2 : i32
    %mul3A_0 = arith.muli %arg1, %mul3A : i32
    %add3A = arith.addi %mul3A_0, %arg0 : i32
    %iota3A = tpu.iota {dimensions = array<i32: 0>} : vector<16xi32>
    %broadcast_in_dim3A = arith.constant 3.000000e+38 : f32
    %broadcast_in_dim3A_1 = vector.broadcast %broadcast_in_dim3A : f32 to vector<16xf32>
    %broadcast_in_dim3A_2 = arith.constant 0 : i32
    %broadcast_in_dim3A_3 = vector.broadcast %broadcast_in_dim3A_2 : i32 to vector<16xi32>
    %mul3A_4 = arith.constant 32 : i32
    %mul3A_5 = arith.muli %add3A, %mul3A_4 : i32
    %scan3A = arith.constant 0 : i32
    %scan3A_6 = arith.constant 0 : i32
    %scan3A_7 = arith.constant 32 : i32
    %scan3A_8 = arith.addi %scan3A_6, %scan3A_7 : i32
    %scan3A_9 = arith.constant 1 : i32
    scf.for %scan3A_11 = %scan3A_6 to %scan3A_8 step %scan3A_9  : i32 {
      %add3A_12 = arith.addi %mul3A_5, %scan3A_11 : i32
      %dma_start3A = arith.constant 0 : i32
      %dma_start3A_13 = tpu.memref_slice %arg2[%add3A_12, %dma_start3A] : memref<1024x65536xf32, #tpu.memory_space<hbm>> -> memref<1x65536xf32, #tpu.memory_space<hbm>>
      %dma_start3A_14 = tpu.memref_squeeze %dma_start3A_13 : memref<1x65536xf32, #tpu.memory_space<hbm>> -> memref<65536xf32, #tpu.memory_space<hbm>>
      %dma_start3A_15 = arith.constant 0 : i32
      %dma_start3A_16 = tpu.memref_slice %arg2[%add3A_12, %dma_start3A_15] : memref<1024x65536xf32, #tpu.memory_space<hbm>> -> memref<1x65536xf32, #tpu.memory_space<hbm>>
      %dma_start3A_17 = tpu.memref_squeeze %dma_start3A_16 : memref<1x65536xf32, #tpu.memory_space<hbm>> -> memref<65536xf32, #tpu.memory_space<hbm>>
      tpu.enqueue_dma source(%dma_start3A_17 : memref<65536xf32, #tpu.memory_space<hbm>>) target(%arg4 : memref<65536xf32, #tpu.memory_space<vmem>>) target_semaphore(%arg8 : memref<!tpu.dma_semaphore, #tpu.memory_space<semaphore_mem>>)
      %dma_wait3A = arith.constant 0 : i32
      %dma_wait3A_18 = tpu.memref_slice %arg2[%add3A_12, %dma_wait3A] : memref<1024x65536xf32, #tpu.memory_space<hbm>> -> memref<1x65536xf32, #tpu.memory_space<hbm>>
      %dma_wait3A_19 = tpu.memref_squeeze %dma_wait3A_18 : memref<1x65536xf32, #tpu.memory_space<hbm>> -> memref<65536xf32, #tpu.memory_space<hbm>>
      %dma_wait3A_20 = arith.constant 0 : i32
      %dma_wait3A_21 = tpu.memref_slice %arg2[%add3A_12, %dma_wait3A_20] : memref<1024x65536xf32, #tpu.memory_space<hbm>> -> memref<1x65536xf32, #tpu.memory_space<hbm>>
      %dma_wait3A_22 = tpu.memref_squeeze %dma_wait3A_21 : memref<1x65536xf32, #tpu.memory_space<hbm>> -> memref<65536xf32, #tpu.memory_space<hbm>>
      tpu.wait_dma2 semaphore(%arg8 : memref<!tpu.dma_semaphore, #tpu.memory_space<semaphore_mem>>) src(%dma_wait3A_22 : memref<65536xf32, #tpu.memory_space<hbm>>) dst(%arg4 : memref<65536xf32, #tpu.memory_space<vmem>>)
      %parallel_loop3A = arith.constant 0 : i32
      %parallel_loop3A_23 = arith.constant 2048 : i32
      %parallel_loop3A_24 = arith.constant 1 : i32
      %parallel_loop3A_25:2 = scf.for %parallel_loop3A_53 = %parallel_loop3A to %parallel_loop3A_23 step %parallel_loop3A_24 iter_args(%parallel_loop3A_54 = %broadcast_in_dim3A_1, %parallel_loop3A_55 = %broadcast_in_dim3A_1) -> (vector<16xf32>, vector<16xf32>)  : i32 {
        %parallel_loop3A_56 = arith.constant 16 : i32
        %parallel_loop3A_57 = arith.muli %parallel_loop3A_53, %parallel_loop3A_56 : i32
        %parallel_loop3A_58 = arith.index_cast %parallel_loop3A_57 : i32 to index
        %parallel_loop3A_59 = tpu.vector_load %arg4[%parallel_loop3A_58] {strides = array<i32>} : memref<65536xf32, #tpu.memory_space<vmem>>, vector<16xf32>,
        %parallel_loop3A_60 = arith.minimumf %parallel_loop3A_54, %parallel_loop3A_59 : vector<16xf32>
        %parallel_loop3A_61 = arith.constant 16 : i32
        %parallel_loop3A_62 = arith.muli %parallel_loop3A_53, %parallel_loop3A_61 : i32
        %parallel_loop3A_63 = arith.constant 32768 : i32
        %parallel_loop3A_64 = arith.addi %parallel_loop3A_63, %parallel_loop3A_62 : i32
        %parallel_loop3A_65 = arith.index_cast %parallel_loop3A_64 : i32 to index
        %parallel_loop3A_66 = tpu.vector_load %arg4[%parallel_loop3A_65] {strides = array<i32>} : memref<65536xf32, #tpu.memory_space<vmem>>, vector<16xf32>,
        %parallel_loop3A_67 = arith.minimumf %parallel_loop3A_55, %parallel_loop3A_66 : vector<16xf32>
        scf.yield %parallel_loop3A_60, %parallel_loop3A_67 : vector<16xf32>, vector<16xf32>
      } {sc.loop_unroll_factor = 8 : i64, sc.parallel_access}
      %reduce_max3A = arith.constant true
      %reduce_max3A_26 = vector.broadcast %reduce_max3A : i1 to vector<16xi1>
      %reduce_max3A_27 = tpu.scan <max>, %parallel_loop3A_25#0 masked %reduce_max3A_26 : vector<16xf32>, vector<16xi1> -> vector<16xf32>
      %reduce_max3A_28 = vector.extract %reduce_max3A_27[15] : f32 from vector<16xf32>
      %reduce_max3A_29 = arith.constant true
      %reduce_max3A_30 = vector.broadcast %reduce_max3A_29 : i1 to vector<16xi1>
      %reduce_max3A_31 = tpu.scan <max>, %parallel_loop3A_25#1 masked %reduce_max3A_30 : vector<16xf32>, vector<16xi1> -> vector<16xf32>
      %reduce_max3A_32 = vector.extract %reduce_max3A_31[15] : f32 from vector<16xf32>
      %max3A = arith.maximumf %reduce_max3A_28, %reduce_max3A_32 : f32
      %broadcast_in_dim3A_33 = vector.broadcast %max3A : f32 to vector<16xf32>
      %parallel_loop3A_34 = arith.constant 0 : i32
      %parallel_loop3A_35 = arith.constant 4096 : i32
      %parallel_loop3A_36 = arith.constant 1 : i32
      %parallel_loop3A_37 = scf.for %parallel_loop3A_53 = %parallel_loop3A_34 to %parallel_loop3A_35 step %parallel_loop3A_36 iter_args(%parallel_loop3A_54 = %broadcast_in_dim3A_3) -> (vector<16xi32>)  : i32 {
        %parallel_loop3A_55 = arith.constant 16 : i32
        %parallel_loop3A_56 = arith.muli %parallel_loop3A_53, %parallel_loop3A_55 : i32
        %parallel_loop3A_57 = arith.index_cast %parallel_loop3A_56 : i32 to index
        %parallel_loop3A_58 = tpu.vector_load %arg4[%parallel_loop3A_57] {strides = array<i32>} : memref<65536xf32, #tpu.memory_space<vmem>>, vector<16xf32>,
        %parallel_loop3A_59 = arith.cmpf ole, %parallel_loop3A_58, %broadcast_in_dim3A_33 : vector<16xf32>
        %parallel_loop3A_60 = arith.constant 4 : i32
        %parallel_loop3A_61 = vector.broadcast %parallel_loop3A_60 : i32 to vector<16xi32>
        %parallel_loop3A_62 = arith.shli %parallel_loop3A_54, %parallel_loop3A_61 : vector<16xi32>
        %parallel_loop3A_63 = arith.addi %iota3A, %parallel_loop3A_62 : vector<16xi32>
        %parallel_loop3A_64 = arith.constant 1023 : i32
        %parallel_loop3A_65 = vector.broadcast %parallel_loop3A_64 : i32 to vector<16xi32>
        %parallel_loop3A_66 = arith.andi %parallel_loop3A_63, %parallel_loop3A_65 : vector<16xi32>
        tpu.vector_store_idx %arg5[%parallel_loop3A_66], %parallel_loop3A_58 masked %parallel_loop3A_59 : memref<1024xf32, #tpu.memory_space<vmem>>[vector<16xi32>], vector<16xf32>, vector<16xi1>
        %parallel_loop3A_67 = arith.extui %parallel_loop3A_59 : vector<16xi1> to vector<16xi32>
        %parallel_loop3A_68 = arith.addi %parallel_loop3A_54, %parallel_loop3A_67 : vector<16xi32>
        scf.yield %parallel_loop3A_68 : vector<16xi32>
      } {sc.loop_unroll_factor = 16 : i64, sc.parallel_access}
      %reduce_max3A_38 = arith.constant true
      %reduce_max3A_39 = vector.broadcast %reduce_max3A_38 : i1 to vector<16xi1>
      %reduce_max3A_40 = arith.constant -2147483648 : i32
      %reduce_max3A_41 = vector.broadcast %reduce_max3A_40 : i32 to vector<16xi32>
      %reduce_max3A_42 = arith.xori %parallel_loop3A_37, %reduce_max3A_41 : vector<16xi32>
      %reduce_max3A_43 = tpu.scan <max>, %reduce_max3A_42 masked %reduce_max3A_39 : vector<16xi32>, vector<16xi1> -> vector<16xi32>
      %reduce_max3A_44 = arith.xori %reduce_max3A_43, %reduce_max3A_41 : vector<16xi32>
      %reduce_max3A_45 = vector.extract %reduce_max3A_44[15] : i32 from vector<16xi32>
      %le3A = arith.constant 64 : i32
      %le3A_46 = arith.cmpi sle, %reduce_max3A_45, %le3A : i32
      %convert_element_type3A = arith.extui %le3A_46 : i1 to i32
      %cond3A = arith.constant 0 : i32
      %cond3A_47 = arith.cmpi ne, %convert_element_type3A, %cond3A : i32
      %cond3A_48:3 = scf.if %cond3A_47 -> (vector<16xf32>, vector<16xf32>, f32) {
        %while3A = arith.constant 0 : i32
        %while3A_53 = arith.constant 0 : i32
        %while3A_54 = arith.subi %reduce_max3A_45, %while3A : i32
        %while3A_55 = arith.addi %while3A, %while3A_54 : i32
        %while3A_56 = arith.constant 1 : i32
        %while3A_57 = arith.divsi %while3A_54, %while3A_56 : i32
        %while3A_58 = arith.muli %while3A_57, %while3A_56 : i32
        %while3A_59 = arith.addi %while3A, %while3A_58 : i32
        %while3A_60 = arith.constant 1 : i32
        %while3A_61 = scf.for %while3A_89 = %while3A to %while3A_59 step %while3A_60 iter_args(%while3A_90 = %while3A_53) -> (i32)  : i32 {
          %mul3A_91 = arith.constant 16 : i32
          %mul3A_92 = arith.muli %while3A_89, %mul3A_91 : i32
          %get3A = arith.index_cast %mul3A_92 : i32 to index
          %get3A_93 = tpu.vector_load %arg5[%get3A] {strides = array<i32>} : memref<1024xf32, #tpu.memory_space<vmem>>, vector<16xf32>,
          %gt3A = vector.broadcast %while3A_89 : i32 to vector<16xi32>
          %gt3A_94 = arith.cmpi sgt, %parallel_loop3A_37, %gt3A : vector<16xi32>
          %convert_element_type3A_95 = arith.extui %gt3A_94 : vector<16xi1> to vector<16xi32>
          %cumsum3A = arith.constant true
          %cumsum3A_96 = vector.broadcast %cumsum3A : i1 to vector<16xi1>
          %cumsum3A_97 = tpu.scan <sum>, %convert_element_type3A_95 masked %cumsum3A_96 : vector<16xi32>, vector<16xi1> -> vector<16xi32>
          %sub3A_98 = arith.constant 1 : i32
          %sub3A_99 = arith.subi %while3A_90, %sub3A_98 : i32
          %add3A_100 = vector.broadcast %sub3A_99 : i32 to vector<16xi32>
          %add3A_101 = arith.addi %add3A_100, %cumsum3A_97 : vector<16xi32>
          tpu.vector_store_idx %arg6[%add3A_101], %get3A_93 masked %gt3A_94 : memref<1040xf32, #tpu.memory_space<vmem>>[vector<16xi32>], vector<16xf32>, vector<16xi1>
          %reduce_max3A_102 = arith.constant true
          %reduce_max3A_103 = vector.broadcast %reduce_max3A_102 : i1 to vector<16xi1>
          %reduce_max3A_104 = arith.constant -2147483648 : i32
          %reduce_max3A_105 = vector.broadcast %reduce_max3A_104 : i32 to vector<16xi32>
          %reduce_max3A_106 = arith.xori %cumsum3A_97, %reduce_max3A_105 : vector<16xi32>
          %reduce_max3A_107 = tpu.scan <max>, %reduce_max3A_106 masked %reduce_max3A_103 : vector<16xi32>, vector<16xi1> -> vector<16xi32>
          %reduce_max3A_108 = arith.xori %reduce_max3A_107, %reduce_max3A_105 : vector<16xi32>
          %reduce_max3A_109 = vector.extract %reduce_max3A_108[15] : i32 from vector<16xi32>
          %add3A_110 = arith.addi %while3A_90, %reduce_max3A_109 : i32
          scf.yield %add3A_110 : i32
        }
        %while3A_62 = arith.constant 1 : i32
        %while3A_63 = scf.for %while3A_89 = %while3A_59 to %while3A_55 step %while3A_62 iter_args(%while3A_90 = %while3A_61) -> (i32)  : i32 {
          %mul3A_91 = arith.constant 16 : i32
          %mul3A_92 = arith.muli %while3A_89, %mul3A_91 : i32
          %get3A = arith.index_cast %mul3A_92 : i32 to index
          %get3A_93 = tpu.vector_load %arg5[%get3A] {strides = array<i32>} : memref<1024xf32, #tpu.memory_space<vmem>>, vector<16xf32>,
          %gt3A = vector.broadcast %while3A_89 : i32 to vector<16xi32>
          %gt3A_94 = arith.cmpi sgt, %parallel_loop3A_37, %gt3A : vector<16xi32>
          %convert_element_type3A_95 = arith.extui %gt3A_94 : vector<16xi1> to vector<16xi32>
          %cumsum3A = arith.constant true
          %cumsum3A_96 = vector.broadcast %cumsum3A : i1 to vector<16xi1>
          %cumsum3A_97 = tpu.scan <sum>, %convert_element_type3A_95 masked %cumsum3A_96 : vector<16xi32>, vector<16xi1> -> vector<16xi32>
          %sub3A_98 = arith.constant 1 : i32
          %sub3A_99 = arith.subi %while3A_90, %sub3A_98 : i32
          %add3A_100 = vector.broadcast %sub3A_99 : i32 to vector<16xi32>
          %add3A_101 = arith.addi %add3A_100, %cumsum3A_97 : vector<16xi32>
          tpu.vector_store_idx %arg6[%add3A_101], %get3A_93 masked %gt3A_94 : memref<1040xf32, #tpu.memory_space<vmem>>[vector<16xi32>], vector<16xf32>, vector<16xi1>
          %reduce_max3A_102 = arith.constant true
          %reduce_max3A_103 = vector.broadcast %reduce_max3A_102 : i1 to vector<16xi1>
          %reduce_max3A_104 = arith.constant -2147483648 : i32
          %reduce_max3A_105 = vector.broadcast %reduce_max3A_104 : i32 to vector<16xi32>
          %reduce_max3A_106 = arith.xori %cumsum3A_97, %reduce_max3A_105 : vector<16xi32>
          %reduce_max3A_107 = tpu.scan <max>, %reduce_max3A_106 masked %reduce_max3A_103 : vector<16xi32>, vector<16xi1> -> vector<16xi32>
          %reduce_max3A_108 = arith.xori %reduce_max3A_107, %reduce_max3A_105 : vector<16xi32>
          %reduce_max3A_109 = vector.extract %reduce_max3A_108[15] : i32 from vector<16xi32>
          %add3A_110 = arith.addi %while3A_90, %reduce_max3A_109 : i32
          scf.yield %add3A_110 : i32
        }
        %add3A_64 = arith.constant 15 : i32
        %add3A_65 = arith.addi %while3A_63, %add3A_64 : i32
        %jit3A = arith.constant 16 : i32
        %div3A = arith.divsi %add3A_65, %jit3A : i32
        %sign3A = arith.constant 0 : i32
        %sign3A_66 = arith.cmpi sgt, %add3A_65, %sign3A : i32
        %sign3A_67 = arith.extui %sign3A_66 : i1 to i32
        %sign3A_68 = arith.constant 0 : i32
        %sign3A_69 = arith.cmpi slt, %add3A_65, %sign3A_68 : i32
        %sign3A_70 = arith.extui %sign3A_69 : i1 to i32
        %sign3A_71 = arith.subi %sign3A_67, %sign3A_70 : i32
        %sign3A_72 = arith.constant 0 : i32
        %sign3A_73 = arith.cmpi sgt, %jit3A, %sign3A_72 : i32
        %sign3A_74 = arith.extui %sign3A_73 : i1 to i32
        %sign3A_75 = arith.constant 0 : i32
        %sign3A_76 = arith.cmpi slt, %jit3A, %sign3A_75 : i32
        %sign3A_77 = arith.extui %sign3A_76 : i1 to i32
        %sign3A_78 = arith.subi %sign3A_74, %sign3A_77 : i32
        %ne3A = arith.cmpi ne, %sign3A_71, %sign3A_78 : i32
        %rem3A = arith.remsi %add3A_65, %jit3A : i32
        %ne3A_79 = arith.constant 0 : i32
        %ne3A_80 = arith.cmpi ne, %rem3A, %ne3A_79 : i32
        %and3A = arith.andi %ne3A, %ne3A_80 : i1
        %sub3A = arith.constant 1 : i32
        %sub3A_81 = arith.subi %div3A, %sub3A : i32
        %select_n3A = arith.select %and3A, %sub3A_81, %div3A : i32
        %broadcast_in_dim3A_82 = arith.constant 3.000000e+38 : f32
        %broadcast_in_dim3A_83 = vector.broadcast %broadcast_in_dim3A_82 : f32 to vector<16xf32>
        %broadcast_in_dim3A_84 = arith.constant 0.000000e+00 : f32
        %broadcast_in_dim3A_85 = vector.broadcast %broadcast_in_dim3A_84 : f32 to vector<16xf32>
        %while3A_86 = arith.constant 30 : i32
        %while3A_87 = arith.constant 0.000000e+00 : f32
        %while3A_88:4 = scf.while (%while3A_89 = %while3A_86, %while3A_90 = %broadcast_in_dim3A_85, %while3A_91 = %broadcast_in_dim3A_85, %while3A_92 = %while3A_87) : (i32, vector<16xf32>, vector<16xf32>, f32) -> (i32, vector<16xf32>, vector<16xf32>, f32) {
          %gt3A = arith.constant 0 : i32
          %gt3A_93 = arith.cmpi sgt, %while3A_89, %gt3A : i32
          scf.condition(%gt3A_93) %while3A_89, %while3A_90, %while3A_91, %while3A_92 : i32, vector<16xf32>, vector<16xf32>, f32
        } do {
        ^bb0(%while3A_89: i32, %while3A_90: vector<16xf32>, %while3A_91: vector<16xf32>, %while3A_92: f32):
          %while3A_93 = arith.constant 0 : i32
          %while3A_94 = arith.subi %select_n3A, %while3A_93 : i32
          %while3A_95 = arith.addi %while3A_93, %while3A_94 : i32
          %while3A_96 = arith.constant 1 : i32
          %while3A_97 = arith.divsi %while3A_94, %while3A_96 : i32
          %while3A_98 = arith.muli %while3A_97, %while3A_96 : i32
          %while3A_99 = arith.addi %while3A_93, %while3A_98 : i32
          %while3A_100 = arith.constant 1 : i32
          %while3A_101 = scf.for %while3A_141 = %while3A_93 to %while3A_99 step %while3A_100 iter_args(%while3A_142 = %broadcast_in_dim3A_83) -> (vector<16xf32>)  : i32 {
            %mul3A_143 = arith.constant 16 : i32
            %mul3A_144 = arith.muli %while3A_141, %mul3A_143 : i32
            %get3A = arith.index_cast %mul3A_144 : i32 to index
            %get3A_145 = tpu.vector_load %arg6[%get3A] {strides = array<i32>} : memref<1040xf32, #tpu.memory_space<vmem>>, vector<16xf32>,
            %mul3A_146 = arith.constant 16 : i32
            %mul3A_147 = arith.muli %while3A_141, %mul3A_146 : i32
            %add3A_148 = vector.broadcast %mul3A_147 : i32 to vector<16xi32>
            %add3A_149 = arith.addi %add3A_148, %iota3A : vector<16xi32>
            %lt3A_150 = vector.broadcast %while3A_63 : i32 to vector<16xi32>
            %lt3A_151 = arith.cmpi slt, %add3A_149, %lt3A_150 : vector<16xi32>
            %select_n3A_152 = arith.select %lt3A_151, %get3A_145, %broadcast_in_dim3A_83 : vector<16xi1>, vector<16xf32>
            %min3A_153 = arith.minimumf %while3A_142, %select_n3A_152 : vector<16xf32>
            scf.yield %min3A_153 : vector<16xf32>
          }
          %while3A_102 = arith.constant 1 : i32
          %while3A_103 = scf.for %while3A_141 = %while3A_99 to %while3A_95 step %while3A_102 iter_args(%while3A_142 = %while3A_101) -> (vector<16xf32>)  : i32 {
            %mul3A_143 = arith.constant 16 : i32
            %mul3A_144 = arith.muli %while3A_141, %mul3A_143 : i32
            %get3A = arith.index_cast %mul3A_144 : i32 to index
            %get3A_145 = tpu.vector_load %arg6[%get3A] {strides = array<i32>} : memref<1040xf32, #tpu.memory_space<vmem>>, vector<16xf32>,
            %mul3A_146 = arith.constant 16 : i32
            %mul3A_147 = arith.muli %while3A_141, %mul3A_146 : i32
            %add3A_148 = vector.broadcast %mul3A_147 : i32 to vector<16xi32>
            %add3A_149 = arith.addi %add3A_148, %iota3A : vector<16xi32>
            %lt3A_150 = vector.broadcast %while3A_63 : i32 to vector<16xi32>
            %lt3A_151 = arith.cmpi slt, %add3A_149, %lt3A_150 : vector<16xi32>
            %select_n3A_152 = arith.select %lt3A_151, %get3A_145, %broadcast_in_dim3A_83 : vector<16xi1>, vector<16xf32>
            %min3A_153 = arith.minimumf %while3A_142, %select_n3A_152 : vector<16xf32>
            scf.yield %min3A_153 : vector<16xf32>
          }
          %reduce_min3A = arith.constant true
          %reduce_min3A_104 = vector.broadcast %reduce_min3A : i1 to vector<16xi1>
          %reduce_min3A_105 = tpu.scan <min>, %while3A_103 masked %reduce_min3A_104 : vector<16xf32>, vector<16xi1> -> vector<16xf32>
          %reduce_min3A_106 = vector.extract %reduce_min3A_105[15] : f32 from vector<16xf32>
          %broadcast_in_dim3A_107 = vector.broadcast %reduce_min3A_106 : f32 to vector<16xf32>
          %while3A_108 = arith.constant 0 : i32
          %while3A_109 = arith.constant 0 : i32
          %while3A_110 = arith.subi %select_n3A, %while3A_108 : i32
          %while3A_111 = arith.addi %while3A_108, %while3A_110 : i32
          %while3A_112 = arith.constant 1 : i32
          %while3A_113 = arith.divsi %while3A_110, %while3A_112 : i32
          %while3A_114 = arith.muli %while3A_113, %while3A_112 : i32
          %while3A_115 = arith.addi %while3A_108, %while3A_114 : i32
          %while3A_116 = arith.constant 1 : i32
          %while3A_117 = scf.for %while3A_141 = %while3A_108 to %while3A_115 step %while3A_116 iter_args(%while3A_142 = %while3A_109) -> (i32)  : i32 {
            %mul3A_143 = arith.constant 16 : i32
            %mul3A_144 = arith.muli %while3A_141, %mul3A_143 : i32
            %get3A = arith.index_cast %mul3A_144 : i32 to index
            %get3A_145 = tpu.vector_load %arg6[%get3A] {strides = array<i32>} : memref<1040xf32, #tpu.memory_space<vmem>>, vector<16xf32>,
            %mul3A_146 = arith.constant 16 : i32
            %mul3A_147 = arith.muli %while3A_141, %mul3A_146 : i32
            %add3A_148 = vector.broadcast %mul3A_147 : i32 to vector<16xi32>
            %add3A_149 = arith.addi %add3A_148, %iota3A : vector<16xi32>
            %lt3A_150 = vector.broadcast %while3A_63 : i32 to vector<16xi32>
            %lt3A_151 = arith.cmpi slt, %add3A_149, %lt3A_150 : vector<16xi32>
            %select_n3A_152 = arith.select %lt3A_151, %get3A_145, %broadcast_in_dim3A_83 : vector<16xi1>, vector<16xf32>
            %eq3A = arith.cmpf oeq, %select_n3A_152, %broadcast_in_dim3A_107 : vector<16xf32>
            %select_n3A_153 = arith.select %eq3A, %broadcast_in_dim3A_83, %select_n3A_152 : vector<16xi1>, vector<16xf32>
            %mul3A_154 = arith.constant 16 : i32
            %mul3A_155 = arith.muli %while3A_141, %mul3A_154 : i32
            %swap3A_156 = arith.index_cast %mul3A_155 : i32 to index
            %swap3A_157 = tpu.vector_load %arg6[%swap3A_156] {strides = array<i32>} : memref<1040xf32, #tpu.memory_space<vmem>>, vector<16xf32>,
            tpu.vector_store %arg6[%swap3A_156], %select_n3A_153 {strides = array<i32>} : memref<1040xf32, #tpu.memory_space<vmem>>, vector<16xf32>,
            %convert_element_type3A_158 = arith.extui %eq3A : vector<16xi1> to vector<16xi32>
            %reduce_sum3A = arith.constant true
            %reduce_sum3A_159 = vector.broadcast %reduce_sum3A : i1 to vector<16xi1>
            %reduce_sum3A_160 = tpu.scan <sum>, %convert_element_type3A_158 masked %reduce_sum3A_159 : vector<16xi32>, vector<16xi1> -> vector<16xi32>
            %reduce_sum3A_161 = vector.extract %reduce_sum3A_160[15] : i32 from vector<16xi32>
            %add3A_162 = arith.addi %while3A_142, %reduce_sum3A_161 : i32
            scf.yield %add3A_162 : i32
          }
          %while3A_118 = arith.constant 1 : i32
          %while3A_119 = scf.for %while3A_141 = %while3A_115 to %while3A_111 step %while3A_118 iter_args(%while3A_142 = %while3A_117) -> (i32)  : i32 {
            %mul3A_143 = arith.constant 16 : i32
            %mul3A_144 = arith.muli %while3A_141, %mul3A_143 : i32
            %get3A = arith.index_cast %mul3A_144 : i32 to index
            %get3A_145 = tpu.vector_load %arg6[%get3A] {strides = array<i32>} : memref<1040xf32, #tpu.memory_space<vmem>>, vector<16xf32>,
            %mul3A_146 = arith.constant 16 : i32
            %mul3A_147 = arith.muli %while3A_141, %mul3A_146 : i32
            %add3A_148 = vector.broadcast %mul3A_147 : i32 to vector<16xi32>
            %add3A_149 = arith.addi %add3A_148, %iota3A : vector<16xi32>
            %lt3A_150 = vector.broadcast %while3A_63 : i32 to vector<16xi32>
            %lt3A_151 = arith.cmpi slt, %add3A_149, %lt3A_150 : vector<16xi32>
            %select_n3A_152 = arith.select %lt3A_151, %get3A_145, %broadcast_in_dim3A_83 : vector<16xi1>, vector<16xf32>
            %eq3A = arith.cmpf oeq, %select_n3A_152, %broadcast_in_dim3A_107 : vector<16xf32>
            %select_n3A_153 = arith.select %eq3A, %broadcast_in_dim3A_83, %select_n3A_152 : vector<16xi1>, vector<16xf32>
            %mul3A_154 = arith.constant 16 : i32
            %mul3A_155 = arith.muli %while3A_141, %mul3A_154 : i32
            %swap3A_156 = arith.index_cast %mul3A_155 : i32 to index
            %swap3A_157 = tpu.vector_load %arg6[%swap3A_156] {strides = array<i32>} : memref<1040xf32, #tpu.memory_space<vmem>>, vector<16xf32>,
            tpu.vector_store %arg6[%swap3A_156], %select_n3A_153 {strides = array<i32>} : memref<1040xf32, #tpu.memory_space<vmem>>, vector<16xf32>,
            %convert_element_type3A_158 = arith.extui %eq3A : vector<16xi1> to vector<16xi32>
            %reduce_sum3A = arith.constant true
            %reduce_sum3A_159 = vector.broadcast %reduce_sum3A : i1 to vector<16xi1>
            %reduce_sum3A_160 = tpu.scan <sum>, %convert_element_type3A_158 masked %reduce_sum3A_159 : vector<16xi32>, vector<16xi1> -> vector<16xi32>
            %reduce_sum3A_161 = vector.extract %reduce_sum3A_160[15] : i32 from vector<16xi32>
            %add3A_162 = arith.addi %while3A_142, %reduce_sum3A_161 : i32
            scf.yield %add3A_162 : i32
          }
          %min3A = arith.minsi %while3A_119, %while3A_89 : i32
          %sub3A_120 = arith.constant 30 : i32
          %sub3A_121 = arith.subi %sub3A_120, %while3A_89 : i32
          %ge3A = vector.broadcast %sub3A_121 : i32 to vector<16xi32>
          %ge3A_122 = arith.cmpi sge, %iota3A, %ge3A : vector<16xi32>
          %add3A_123 = arith.addi %sub3A_121, %min3A : i32
          %lt3A = vector.broadcast %add3A_123 : i32 to vector<16xi32>
          %lt3A_124 = arith.cmpi slt, %iota3A, %lt3A : vector<16xi32>
          %and3A_125 = arith.andi %ge3A_122, %lt3A_124 : vector<16xi1>
          %add3A_126 = arith.constant 16 : i32
          %add3A_127 = vector.broadcast %add3A_126 : i32 to vector<16xi32>
          %add3A_128 = arith.addi %iota3A, %add3A_127 : vector<16xi32>
          %ge3A_129 = vector.broadcast %sub3A_121 : i32 to vector<16xi32>
          %ge3A_130 = arith.cmpi sge, %add3A_128, %ge3A_129 : vector<16xi32>
          %add3A_131 = arith.constant 16 : i32
          %add3A_132 = vector.broadcast %add3A_131 : i32 to vector<16xi32>
          %add3A_133 = arith.addi %iota3A, %add3A_132 : vector<16xi32>
          %add3A_134 = arith.addi %sub3A_121, %min3A : i32
          %lt3A_135 = vector.broadcast %add3A_134 : i32 to vector<16xi32>
          %lt3A_136 = arith.cmpi slt, %add3A_133, %lt3A_135 : vector<16xi32>
          %and3A_137 = arith.andi %ge3A_130, %lt3A_136 : vector<16xi1>
          %select_n3A_138 = arith.select %and3A_125, %broadcast_in_dim3A_107, %while3A_90 : vector<16xi1>, vector<16xf32>
          %select_n3A_139 = arith.select %and3A_137, %broadcast_in_dim3A_107, %while3A_91 : vector<16xi1>, vector<16xf32>
          %sub3A_140 = arith.subi %while3A_89, %min3A : i32
          scf.yield %sub3A_140, %select_n3A_138, %select_n3A_139, %reduce_min3A_106 : i32, vector<16xf32>, vector<16xf32>, f32
        }
        scf.yield %while3A_88#1, %while3A_88#2, %while3A_88#3 : vector<16xf32>, vector<16xf32>, f32
      } else {
        %scan3A_53 = arith.constant 0 : i32
        %scan3A_54 = arith.constant 0 : i32
        %scan3A_55 = arith.constant 1024 : i32
        %scan3A_56 = arith.addi %scan3A_54, %scan3A_55 : i32
        %scan3A_57 = arith.constant 1 : i32
        %scan3A_58 = scf.for %scan3A_84 = %scan3A_54 to %scan3A_56 step %scan3A_57 iter_args(%scan3A_85 = %scan3A_53) -> (i32)  : i32 {
          %mul3A_86 = arith.constant 64 : i32
          %mul3A_87 = arith.muli %scan3A_84, %mul3A_86 : i32
          %get3A = arith.index_cast %mul3A_87 : i32 to index
          %get3A_88 = tpu.vector_load %arg4[%get3A] {strides = array<i32>} : memref<65536xf32, #tpu.memory_space<vmem>>, vector<16xf32>,
          %add3A_89 = arith.constant 16 : i32
          %add3A_90 = arith.addi %mul3A_87, %add3A_89 : i32
          %get3A_91 = arith.index_cast %add3A_90 : i32 to index
          %get3A_92 = tpu.vector_load %arg4[%get3A_91] {strides = array<i32>} : memref<65536xf32, #tpu.memory_space<vmem>>, vector<16xf32>,
          %add3A_93 = arith.constant 32 : i32
          %add3A_94 = arith.addi %mul3A_87, %add3A_93 : i32
          %get3A_95 = arith.index_cast %add3A_94 : i32 to index
          %get3A_96 = tpu.vector_load %arg4[%get3A_95] {strides = array<i32>} : memref<65536xf32, #tpu.memory_space<vmem>>, vector<16xf32>,
          %add3A_97 = arith.constant 48 : i32
          %add3A_98 = arith.addi %mul3A_87, %add3A_97 : i32
          %get3A_99 = arith.index_cast %add3A_98 : i32 to index
          %get3A_100 = tpu.vector_load %arg4[%get3A_99] {strides = array<i32>} : memref<65536xf32, #tpu.memory_space<vmem>>, vector<16xf32>,
          %min3A = arith.minimumf %get3A_88, %get3A_92 : vector<16xf32>
          %min3A_101 = arith.minimumf %get3A_96, %get3A_100 : vector<16xf32>
          %min3A_102 = arith.minimumf %min3A, %min3A_101 : vector<16xf32>
          %le3A_103 = arith.cmpf ole, %min3A_102, %broadcast_in_dim3A_33 : vector<16xf32>
          %reduce_or3A = arith.constant 1.000000e+00 : f32
          %reduce_or3A_104 = arith.constant 0.000000e+00 : f32
          %reduce_or3A_105 = vector.broadcast %reduce_or3A : f32 to vector<16xf32>
          %reduce_or3A_106 = vector.broadcast %reduce_or3A_104 : f32 to vector<16xf32>
          %reduce_or3A_107 = arith.select %le3A_103, %reduce_or3A_105, %reduce_or3A_106 : vector<16xi1>, vector<16xf32>
          %reduce_or3A_108 = arith.constant true
          %reduce_or3A_109 = vector.broadcast %reduce_or3A_108 : i1 to vector<16xi1>
          %reduce_or3A_110 = tpu.scan <max>, %reduce_or3A_107 masked %reduce_or3A_109 : vector<16xf32>, vector<16xi1> -> vector<16xf32>
          %reduce_or3A_111 = vector.extract %reduce_or3A_110[15] : f32 from vector<16xf32>
          %reduce_or3A_112 = arith.constant 0.000000e+00 : f32
          %reduce_or3A_113 = arith.cmpf ogt, %reduce_or3A_111, %reduce_or3A_112 : f32
          %convert_element_type3A_114 = arith.extui %reduce_or3A_113 : i1 to i32
          %cond3A_115 = arith.constant 0 : i32
          %cond3A_116 = arith.cmpi ne, %convert_element_type3A_114, %cond3A_115 : i32
          %cond3A_117 = scf.if %cond3A_116 -> (i32) {
            %add3A_123 = arith.constant 0 : i32
            %add3A_124 = arith.addi %mul3A_87, %add3A_123 : i32
            %get3A_125 = arith.index_cast %add3A_124 : i32 to index
            %get3A_126 = tpu.vector_load %arg4[%get3A_125] {strides = array<i32>} : memref<65536xf32, #tpu.memory_space<vmem>>, vector<16xf32>,
            %le3A_127 = arith.cmpf ole, %get3A_126, %broadcast_in_dim3A_33 : vector<16xf32>
            %convert_element_type3A_128 = arith.extui %le3A_127 : vector<16xi1> to vector<16xi32>
            %cumsum3A = arith.constant true
            %cumsum3A_129 = vector.broadcast %cumsum3A : i1 to vector<16xi1>
            %cumsum3A_130 = tpu.scan <sum>, %convert_element_type3A_128 masked %cumsum3A_129 : vector<16xi32>, vector<16xi1> -> vector<16xi32>
            %sub3A_131 = arith.constant 1 : i32
            %sub3A_132 = arith.subi %scan3A_85, %sub3A_131 : i32
            %add3A_133 = vector.broadcast %sub3A_132 : i32 to vector<16xi32>
            %add3A_134 = arith.addi %add3A_133, %cumsum3A_130 : vector<16xi32>
            tpu.vector_store_idx %arg6[%add3A_134], %get3A_126 masked %le3A_127 : memref<1040xf32, #tpu.memory_space<vmem>>[vector<16xi32>], vector<16xf32>, vector<16xi1>
            %reduce_max3A_135 = arith.constant true
            %reduce_max3A_136 = vector.broadcast %reduce_max3A_135 : i1 to vector<16xi1>
            %reduce_max3A_137 = arith.constant -2147483648 : i32
            %reduce_max3A_138 = vector.broadcast %reduce_max3A_137 : i32 to vector<16xi32>
            %reduce_max3A_139 = arith.xori %cumsum3A_130, %reduce_max3A_138 : vector<16xi32>
            %reduce_max3A_140 = tpu.scan <max>, %reduce_max3A_139 masked %reduce_max3A_136 : vector<16xi32>, vector<16xi1> -> vector<16xi32>
            %reduce_max3A_141 = arith.xori %reduce_max3A_140, %reduce_max3A_138 : vector<16xi32>
            %reduce_max3A_142 = vector.extract %reduce_max3A_141[15] : i32 from vector<16xi32>
            %add3A_143 = arith.addi %scan3A_85, %reduce_max3A_142 : i32
            %add3A_144 = arith.constant 16 : i32
            %add3A_145 = arith.addi %mul3A_87, %add3A_144 : i32
            %get3A_146 = arith.index_cast %add3A_145 : i32 to index
            %get3A_147 = tpu.vector_load %arg4[%get3A_146] {strides = array<i32>} : memref<65536xf32, #tpu.memory_space<vmem>>, vector<16xf32>,
            %le3A_148 = arith.cmpf ole, %get3A_147, %broadcast_in_dim3A_33 : vector<16xf32>
            %convert_element_type3A_149 = arith.extui %le3A_148 : vector<16xi1> to vector<16xi32>
            %cumsum3A_150 = arith.constant true
            %cumsum3A_151 = vector.broadcast %cumsum3A_150 : i1 to vector<16xi1>
            %cumsum3A_152 = tpu.scan <sum>, %convert_element_type3A_149 masked %cumsum3A_151 : vector<16xi32>, vector<16xi1> -> vector<16xi32>
            %sub3A_153 = arith.constant 1 : i32
            %sub3A_154 = arith.subi %add3A_143, %sub3A_153 : i32
            %add3A_155 = vector.broadcast %sub3A_154 : i32 to vector<16xi32>
            %add3A_156 = arith.addi %add3A_155, %cumsum3A_152 : vector<16xi32>
            tpu.vector_store_idx %arg6[%add3A_156], %get3A_147 masked %le3A_148 : memref<1040xf32, #tpu.memory_space<vmem>>[vector<16xi32>], vector<16xf32>, vector<16xi1>
            %reduce_max3A_157 = arith.constant true
            %reduce_max3A_158 = vector.broadcast %reduce_max3A_157 : i1 to vector<16xi1>
            %reduce_max3A_159 = arith.constant -2147483648 : i32
            %reduce_max3A_160 = vector.broadcast %reduce_max3A_159 : i32 to vector<16xi32>
            %reduce_max3A_161 = arith.xori %cumsum3A_152, %reduce_max3A_160 : vector<16xi32>
            %reduce_max3A_162 = tpu.scan <max>, %reduce_max3A_161 masked %reduce_max3A_158 : vector<16xi32>, vector<16xi1> -> vector<16xi32>
            %reduce_max3A_163 = arith.xori %reduce_max3A_162, %reduce_max3A_160 : vector<16xi32>
            %reduce_max3A_164 = vector.extract %reduce_max3A_163[15] : i32 from vector<16xi32>
            %add3A_165 = arith.addi %add3A_143, %reduce_max3A_164 : i32
            %add3A_166 = arith.constant 32 : i32
            %add3A_167 = arith.addi %mul3A_87, %add3A_166 : i32
            %get3A_168 = arith.index_cast %add3A_167 : i32 to index
            %get3A_169 = tpu.vector_load %arg4[%get3A_168] {strides = array<i32>} : memref<65536xf32, #tpu.memory_space<vmem>>, vector<16xf32>,
            %le3A_170 = arith.cmpf ole, %get3A_169, %broadcast_in_dim3A_33 : vector<16xf32>
            %convert_element_type3A_171 = arith.extui %le3A_170 : vector<16xi1> to vector<16xi32>
            %cumsum3A_172 = arith.constant true
            %cumsum3A_173 = vector.broadcast %cumsum3A_172 : i1 to vector<16xi1>
            %cumsum3A_174 = tpu.scan <sum>, %convert_element_type3A_171 masked %cumsum3A_173 : vector<16xi32>, vector<16xi1> -> vector<16xi32>
            %sub3A_175 = arith.constant 1 : i32
            %sub3A_176 = arith.subi %add3A_165, %sub3A_175 : i32
            %add3A_177 = vector.broadcast %sub3A_176 : i32 to vector<16xi32>
            %add3A_178 = arith.addi %add3A_177, %cumsum3A_174 : vector<16xi32>
            tpu.vector_store_idx %arg6[%add3A_178], %get3A_169 masked %le3A_170 : memref<1040xf32, #tpu.memory_space<vmem>>[vector<16xi32>], vector<16xf32>, vector<16xi1>
            %reduce_max3A_179 = arith.constant true
            %reduce_max3A_180 = vector.broadcast %reduce_max3A_179 : i1 to vector<16xi1>
            %reduce_max3A_181 = arith.constant -2147483648 : i32
            %reduce_max3A_182 = vector.broadcast %reduce_max3A_181 : i32 to vector<16xi32>
            %reduce_max3A_183 = arith.xori %cumsum3A_174, %reduce_max3A_182 : vector<16xi32>
            %reduce_max3A_184 = tpu.scan <max>, %reduce_max3A_183 masked %reduce_max3A_180 : vector<16xi32>, vector<16xi1> -> vector<16xi32>
            %reduce_max3A_185 = arith.xori %reduce_max3A_184, %reduce_max3A_182 : vector<16xi32>
            %reduce_max3A_186 = vector.extract %reduce_max3A_185[15] : i32 from vector<16xi32>
            %add3A_187 = arith.addi %add3A_165, %reduce_max3A_186 : i32
            %add3A_188 = arith.constant 48 : i32
            %add3A_189 = arith.addi %mul3A_87, %add3A_188 : i32
            %get3A_190 = arith.index_cast %add3A_189 : i32 to index
            %get3A_191 = tpu.vector_load %arg4[%get3A_190] {strides = array<i32>} : memref<65536xf32, #tpu.memory_space<vmem>>, vector<16xf32>,
            %le3A_192 = arith.cmpf ole, %get3A_191, %broadcast_in_dim3A_33 : vector<16xf32>
            %convert_element_type3A_193 = arith.extui %le3A_192 : vector<16xi1> to vector<16xi32>
            %cumsum3A_194 = arith.constant true
            %cumsum3A_195 = vector.broadcast %cumsum3A_194 : i1 to vector<16xi1>
            %cumsum3A_196 = tpu.scan <sum>, %convert_element_type3A_193 masked %cumsum3A_195 : vector<16xi32>, vector<16xi1> -> vector<16xi32>
            %sub3A_197 = arith.constant 1 : i32
            %sub3A_198 = arith.subi %add3A_187, %sub3A_197 : i32
            %add3A_199 = vector.broadcast %sub3A_198 : i32 to vector<16xi32>
            %add3A_200 = arith.addi %add3A_199, %cumsum3A_196 : vector<16xi32>
            tpu.vector_store_idx %arg6[%add3A_200], %get3A_191 masked %le3A_192 : memref<1040xf32, #tpu.memory_space<vmem>>[vector<16xi32>], vector<16xf32>, vector<16xi1>
            %reduce_max3A_201 = arith.constant true
            %reduce_max3A_202 = vector.broadcast %reduce_max3A_201 : i1 to vector<16xi1>
            %reduce_max3A_203 = arith.constant -2147483648 : i32
            %reduce_max3A_204 = vector.broadcast %reduce_max3A_203 : i32 to vector<16xi32>
            %reduce_max3A_205 = arith.xori %cumsum3A_196, %reduce_max3A_204 : vector<16xi32>
            %reduce_max3A_206 = tpu.scan <max>, %reduce_max3A_205 masked %reduce_max3A_202 : vector<16xi32>, vector<16xi1> -> vector<16xi32>
            %reduce_max3A_207 = arith.xori %reduce_max3A_206, %reduce_max3A_204 : vector<16xi32>
            %reduce_max3A_208 = vector.extract %reduce_max3A_207[15] : i32 from vector<16xi32>
            %add3A_209 = arith.addi %add3A_187, %reduce_max3A_208 : i32
            scf.yield %add3A_209 : i32
          } else {
            scf.yield %scan3A_85 : i32
          }
          %ge3A = arith.constant 224 : i32
          %ge3A_118 = arith.cmpi sge, %cond3A_117, %ge3A : i32
          %convert_element_type3A_119 = arith.extui %ge3A_118 : i1 to i32
          %cond3A_120 = arith.constant 0 : i32
          %cond3A_121 = arith.cmpi ne, %convert_element_type3A_119, %cond3A_120 : i32
          %cond3A_122 = scf.if %cond3A_121 -> (i32) {
            %add3A_123 = arith.constant 15 : i32
            %add3A_124 = arith.addi %cond3A_117, %add3A_123 : i32
            %jit3A_125 = arith.constant 16 : i32
            %div3A_126 = arith.divsi %add3A_124, %jit3A_125 : i32
            %sign3A_127 = arith.constant 0 : i32
            %sign3A_128 = arith.cmpi sgt, %add3A_124, %sign3A_127 : i32
            %sign3A_129 = arith.extui %sign3A_128 : i1 to i32
            %sign3A_130 = arith.constant 0 : i32
            %sign3A_131 = arith.cmpi slt, %add3A_124, %sign3A_130 : i32
            %sign3A_132 = arith.extui %sign3A_131 : i1 to i32
            %sign3A_133 = arith.subi %sign3A_129, %sign3A_132 : i32
            %sign3A_134 = arith.constant 0 : i32
            %sign3A_135 = arith.cmpi sgt, %jit3A_125, %sign3A_134 : i32
            %sign3A_136 = arith.extui %sign3A_135 : i1 to i32
            %sign3A_137 = arith.constant 0 : i32
            %sign3A_138 = arith.cmpi slt, %jit3A_125, %sign3A_137 : i32
            %sign3A_139 = arith.extui %sign3A_138 : i1 to i32
            %sign3A_140 = arith.subi %sign3A_136, %sign3A_139 : i32
            %ne3A_141 = arith.cmpi ne, %sign3A_133, %sign3A_140 : i32
            %rem3A_142 = arith.remsi %add3A_124, %jit3A_125 : i32
            %ne3A_143 = arith.constant 0 : i32
            %ne3A_144 = arith.cmpi ne, %rem3A_142, %ne3A_143 : i32
            %and3A_145 = arith.andi %ne3A_141, %ne3A_144 : i1
            %sub3A_146 = arith.constant 1 : i32
            %sub3A_147 = arith.subi %div3A_126, %sub3A_146 : i32
            %select_n3A_148 = arith.select %and3A_145, %sub3A_147, %div3A_126 : i32
            %broadcast_in_dim3A_149 = arith.constant 3.000000e+38 : f32
            %broadcast_in_dim3A_150 = vector.broadcast %broadcast_in_dim3A_149 : f32 to vector<16xf32>
            %broadcast_in_dim3A_151 = arith.constant 0.000000e+00 : f32
            %broadcast_in_dim3A_152 = vector.broadcast %broadcast_in_dim3A_151 : f32 to vector<16xf32>
            %while3A_153 = arith.constant 30 : i32
            %while3A_154 = arith.constant 0.000000e+00 : f32
            %while3A_155:4 = scf.while (%while3A_161 = %while3A_153, %while3A_162 = %broadcast_in_dim3A_152, %while3A_163 = %broadcast_in_dim3A_152, %while3A_164 = %while3A_154) : (i32, vector<16xf32>, vector<16xf32>, f32) -> (i32, vector<16xf32>, vector<16xf32>, f32) {
              %gt3A = arith.constant 0 : i32
              %gt3A_165 = arith.cmpi sgt, %while3A_161, %gt3A : i32
              scf.condition(%gt3A_165) %while3A_161, %while3A_162, %while3A_163, %while3A_164 : i32, vector<16xf32>, vector<16xf32>, f32
            } do {
            ^bb0(%while3A_161: i32, %while3A_162: vector<16xf32>, %while3A_163: vector<16xf32>, %while3A_164: f32):
              %while3A_165 = arith.constant 0 : i32
              %while3A_166 = arith.subi %select_n3A_148, %while3A_165 : i32
              %while3A_167 = arith.addi %while3A_165, %while3A_166 : i32
              %while3A_168 = arith.constant 1 : i32
              %while3A_169 = arith.divsi %while3A_166, %while3A_168 : i32
              %while3A_170 = arith.muli %while3A_169, %while3A_168 : i32
              %while3A_171 = arith.addi %while3A_165, %while3A_170 : i32
              %while3A_172 = arith.constant 1 : i32
              %while3A_173 = scf.for %while3A_215 = %while3A_165 to %while3A_171 step %while3A_172 iter_args(%while3A_216 = %broadcast_in_dim3A_150) -> (vector<16xf32>)  : i32 {
                %mul3A_217 = arith.constant 16 : i32
                %mul3A_218 = arith.muli %while3A_215, %mul3A_217 : i32
                %get3A_219 = arith.index_cast %mul3A_218 : i32 to index
                %get3A_220 = tpu.vector_load %arg6[%get3A_219] {strides = array<i32>} : memref<1040xf32, #tpu.memory_space<vmem>>, vector<16xf32>,
                %mul3A_221 = arith.constant 16 : i32
                %mul3A_222 = arith.muli %while3A_215, %mul3A_221 : i32
                %add3A_223 = vector.broadcast %mul3A_222 : i32 to vector<16xi32>
                %add3A_224 = arith.addi %add3A_223, %iota3A : vector<16xi32>
                %lt3A_225 = vector.broadcast %cond3A_117 : i32 to vector<16xi32>
                %lt3A_226 = arith.cmpi slt, %add3A_224, %lt3A_225 : vector<16xi32>
                %select_n3A_227 = arith.select %lt3A_226, %get3A_220, %broadcast_in_dim3A_150 : vector<16xi1>, vector<16xf32>
                %min3A_228 = arith.minimumf %while3A_216, %select_n3A_227 : vector<16xf32>
                scf.yield %min3A_228 : vector<16xf32>
              }
              %while3A_174 = arith.constant 1 : i32
              %while3A_175 = scf.for %while3A_215 = %while3A_171 to %while3A_167 step %while3A_174 iter_args(%while3A_216 = %while3A_173) -> (vector<16xf32>)  : i32 {
                %mul3A_217 = arith.constant 16 : i32
                %mul3A_218 = arith.muli %while3A_215, %mul3A_217 : i32
                %get3A_219 = arith.index_cast %mul3A_218 : i32 to index
                %get3A_220 = tpu.vector_load %arg6[%get3A_219] {strides = array<i32>} : memref<1040xf32, #tpu.memory_space<vmem>>, vector<16xf32>,
                %mul3A_221 = arith.constant 16 : i32
                %mul3A_222 = arith.muli %while3A_215, %mul3A_221 : i32
                %add3A_223 = vector.broadcast %mul3A_222 : i32 to vector<16xi32>
                %add3A_224 = arith.addi %add3A_223, %iota3A : vector<16xi32>
                %lt3A_225 = vector.broadcast %cond3A_117 : i32 to vector<16xi32>
                %lt3A_226 = arith.cmpi slt, %add3A_224, %lt3A_225 : vector<16xi32>
                %select_n3A_227 = arith.select %lt3A_226, %get3A_220, %broadcast_in_dim3A_150 : vector<16xi1>, vector<16xf32>
                %min3A_228 = arith.minimumf %while3A_216, %select_n3A_227 : vector<16xf32>
                scf.yield %min3A_228 : vector<16xf32>
              }
              %reduce_min3A = arith.constant true
              %reduce_min3A_176 = vector.broadcast %reduce_min3A : i1 to vector<16xi1>
              %reduce_min3A_177 = tpu.scan <min>, %while3A_175 masked %reduce_min3A_176 : vector<16xf32>, vector<16xi1> -> vector<16xf32>
              %reduce_min3A_178 = vector.extract %reduce_min3A_177[15] : f32 from vector<16xf32>
              %broadcast_in_dim3A_179 = vector.broadcast %reduce_min3A_178 : f32 to vector<16xf32>
              %while3A_180 = arith.constant 0 : i32
              %while3A_181 = arith.constant 0 : i32
              %while3A_182 = arith.subi %select_n3A_148, %while3A_180 : i32
              %while3A_183 = arith.addi %while3A_180, %while3A_182 : i32
              %while3A_184 = arith.constant 1 : i32
              %while3A_185 = arith.divsi %while3A_182, %while3A_184 : i32
              %while3A_186 = arith.muli %while3A_185, %while3A_184 : i32
              %while3A_187 = arith.addi %while3A_180, %while3A_186 : i32
              %while3A_188 = arith.constant 1 : i32
              %while3A_189 = scf.for %while3A_215 = %while3A_180 to %while3A_187 step %while3A_188 iter_args(%while3A_216 = %while3A_181) -> (i32)  : i32 {
                %mul3A_217 = arith.constant 16 : i32
                %mul3A_218 = arith.muli %while3A_215, %mul3A_217 : i32
                %get3A_219 = arith.index_cast %mul3A_218 : i32 to index
                %get3A_220 = tpu.vector_load %arg6[%get3A_219] {strides = array<i32>} : memref<1040xf32, #tpu.memory_space<vmem>>, vector<16xf32>,
                %mul3A_221 = arith.constant 16 : i32
                %mul3A_222 = arith.muli %while3A_215, %mul3A_221 : i32
                %add3A_223 = vector.broadcast %mul3A_222 : i32 to vector<16xi32>
                %add3A_224 = arith.addi %add3A_223, %iota3A : vector<16xi32>
                %lt3A_225 = vector.broadcast %cond3A_117 : i32 to vector<16xi32>
                %lt3A_226 = arith.cmpi slt, %add3A_224, %lt3A_225 : vector<16xi32>
                %select_n3A_227 = arith.select %lt3A_226, %get3A_220, %broadcast_in_dim3A_150 : vector<16xi1>, vector<16xf32>
                %eq3A = arith.cmpf oeq, %select_n3A_227, %broadcast_in_dim3A_179 : vector<16xf32>
                %select_n3A_228 = arith.select %eq3A, %broadcast_in_dim3A_150, %select_n3A_227 : vector<16xi1>, vector<16xf32>
                %mul3A_229 = arith.constant 16 : i32
                %mul3A_230 = arith.muli %while3A_215, %mul3A_229 : i32
                %swap3A_231 = arith.index_cast %mul3A_230 : i32 to index
                %swap3A_232 = tpu.vector_load %arg6[%swap3A_231] {strides = array<i32>} : memref<1040xf32, #tpu.memory_space<vmem>>, vector<16xf32>,
                tpu.vector_store %arg6[%swap3A_231], %select_n3A_228 {strides = array<i32>} : memref<1040xf32, #tpu.memory_space<vmem>>, vector<16xf32>,
                %convert_element_type3A_233 = arith.extui %eq3A : vector<16xi1> to vector<16xi32>
                %reduce_sum3A = arith.constant true
                %reduce_sum3A_234 = vector.broadcast %reduce_sum3A : i1 to vector<16xi1>
                %reduce_sum3A_235 = tpu.scan <sum>, %convert_element_type3A_233 masked %reduce_sum3A_234 : vector<16xi32>, vector<16xi1> -> vector<16xi32>
                %reduce_sum3A_236 = vector.extract %reduce_sum3A_235[15] : i32 from vector<16xi32>
                %add3A_237 = arith.addi %while3A_216, %reduce_sum3A_236 : i32
                scf.yield %add3A_237 : i32
              }
              %while3A_190 = arith.constant 1 : i32
              %while3A_191 = scf.for %while3A_215 = %while3A_187 to %while3A_183 step %while3A_190 iter_args(%while3A_216 = %while3A_189) -> (i32)  : i32 {
                %mul3A_217 = arith.constant 16 : i32
                %mul3A_218 = arith.muli %while3A_215, %mul3A_217 : i32
                %get3A_219 = arith.index_cast %mul3A_218 : i32 to index
                %get3A_220 = tpu.vector_load %arg6[%get3A_219] {strides = array<i32>} : memref<1040xf32, #tpu.memory_space<vmem>>, vector<16xf32>,
                %mul3A_221 = arith.constant 16 : i32
                %mul3A_222 = arith.muli %while3A_215, %mul3A_221 : i32
                %add3A_223 = vector.broadcast %mul3A_222 : i32 to vector<16xi32>
                %add3A_224 = arith.addi %add3A_223, %iota3A : vector<16xi32>
                %lt3A_225 = vector.broadcast %cond3A_117 : i32 to vector<16xi32>
                %lt3A_226 = arith.cmpi slt, %add3A_224, %lt3A_225 : vector<16xi32>
                %select_n3A_227 = arith.select %lt3A_226, %get3A_220, %broadcast_in_dim3A_150 : vector<16xi1>, vector<16xf32>
                %eq3A = arith.cmpf oeq, %select_n3A_227, %broadcast_in_dim3A_179 : vector<16xf32>
                %select_n3A_228 = arith.select %eq3A, %broadcast_in_dim3A_150, %select_n3A_227 : vector<16xi1>, vector<16xf32>
                %mul3A_229 = arith.constant 16 : i32
                %mul3A_230 = arith.muli %while3A_215, %mul3A_229 : i32
                %swap3A_231 = arith.index_cast %mul3A_230 : i32 to index
                %swap3A_232 = tpu.vector_load %arg6[%swap3A_231] {strides = array<i32>} : memref<1040xf32, #tpu.memory_space<vmem>>, vector<16xf32>,
                tpu.vector_store %arg6[%swap3A_231], %select_n3A_228 {strides = array<i32>} : memref<1040xf32, #tpu.memory_space<vmem>>, vector<16xf32>,
                %convert_element_type3A_233 = arith.extui %eq3A : vector<16xi1> to vector<16xi32>
                %reduce_sum3A = arith.constant true
                %reduce_sum3A_234 = vector.broadcast %reduce_sum3A : i1 to vector<16xi1>
                %reduce_sum3A_235 = tpu.scan <sum>, %convert_element_type3A_233 masked %reduce_sum3A_234 : vector<16xi32>, vector<16xi1> -> vector<16xi32>
                %reduce_sum3A_236 = vector.extract %reduce_sum3A_235[15] : i32 from vector<16xi32>
                %add3A_237 = arith.addi %while3A_216, %reduce_sum3A_236 : i32
                scf.yield %add3A_237 : i32
              }
              %min3A_192 = arith.minsi %while3A_191, %while3A_161 : i32
              %sub3A_193 = arith.constant 30 : i32
              %sub3A_194 = arith.subi %sub3A_193, %while3A_161 : i32
              %ge3A_195 = vector.broadcast %sub3A_194 : i32 to vector<16xi32>
              %ge3A_196 = arith.cmpi sge, %iota3A, %ge3A_195 : vector<16xi32>
              %add3A_197 = arith.addi %sub3A_194, %min3A_192 : i32
              %lt3A = vector.broadcast %add3A_197 : i32 to vector<16xi32>
              %lt3A_198 = arith.cmpi slt, %iota3A, %lt3A : vector<16xi32>
              %and3A_199 = arith.andi %ge3A_196, %lt3A_198 : vector<16xi1>
              %add3A_200 = arith.constant 16 : i32
              %add3A_201 = vector.broadcast %add3A_200 : i32 to vector<16xi32>
              %add3A_202 = arith.addi %iota3A, %add3A_201 : vector<16xi32>
              %ge3A_203 = vector.broadcast %sub3A_194 : i32 to vector<16xi32>
              %ge3A_204 = arith.cmpi sge, %add3A_202, %ge3A_203 : vector<16xi32>
              %add3A_205 = arith.constant 16 : i32
              %add3A_206 = vector.broadcast %add3A_205 : i32 to vector<16xi32>
              %add3A_207 = arith.addi %iota3A, %add3A_206 : vector<16xi32>
              %add3A_208 = arith.addi %sub3A_194, %min3A_192 : i32
              %lt3A_209 = vector.broadcast %add3A_208 : i32 to vector<16xi32>
              %lt3A_210 = arith.cmpi slt, %add3A_207, %lt3A_209 : vector<16xi32>
              %and3A_211 = arith.andi %ge3A_204, %lt3A_210 : vector<16xi1>
              %select_n3A_212 = arith.select %and3A_199, %broadcast_in_dim3A_179, %while3A_162 : vector<16xi1>, vector<16xf32>
              %select_n3A_213 = arith.select %and3A_211, %broadcast_in_dim3A_179, %while3A_163 : vector<16xi1>, vector<16xf32>
              %sub3A_214 = arith.subi %while3A_161, %min3A_192 : i32
              scf.yield %sub3A_214, %select_n3A_212, %select_n3A_213, %reduce_min3A_178 : i32, vector<16xf32>, vector<16xf32>, f32
            }
            %swap3A_156 = arith.constant 0 : index
            %swap3A_157 = tpu.vector_load %arg6[%swap3A_156] {strides = array<i32>} : memref<1040xf32, #tpu.memory_space<vmem>>, vector<16xf32>,
            tpu.vector_store %arg6[%swap3A_156], %while3A_155#1 {strides = array<i32>} : memref<1040xf32, #tpu.memory_space<vmem>>, vector<16xf32>,
            %swap3A_158 = arith.constant 16 : index
            %swap3A_159 = tpu.vector_load %arg6[%swap3A_158] {strides = array<i32>} : memref<1040xf32, #tpu.memory_space<vmem>>, vector<16xf32>,
            tpu.vector_store %arg6[%swap3A_158], %while3A_155#2 {strides = array<i32>} : memref<1040xf32, #tpu.memory_space<vmem>>, vector<16xf32>,
            %cond3A_160 = arith.constant 30 : i32
            scf.yield %cond3A_160 : i32
          } else {
            scf.yield %cond3A_117 : i32
          }
          scf.yield %cond3A_122 : i32
        }
        %scan3A_59 = arith.constant 1024 : i32
        %add3A_60 = arith.constant 15 : i32
        %add3A_61 = arith.addi %scan3A_58, %add3A_60 : i32
        %jit3A = arith.constant 16 : i32
        %div3A = arith.divsi %add3A_61, %jit3A : i32
        %sign3A = arith.constant 0 : i32
        %sign3A_62 = arith.cmpi sgt, %add3A_61, %sign3A : i32
        %sign3A_63 = arith.extui %sign3A_62 : i1 to i32
        %sign3A_64 = arith.constant 0 : i32
        %sign3A_65 = arith.cmpi slt, %add3A_61, %sign3A_64 : i32
        %sign3A_66 = arith.extui %sign3A_65 : i1 to i32
        %sign3A_67 = arith.subi %sign3A_63, %sign3A_66 : i32
        %sign3A_68 = arith.constant 0 : i32
        %sign3A_69 = arith.cmpi sgt, %jit3A, %sign3A_68 : i32
        %sign3A_70 = arith.extui %sign3A_69 : i1 to i32
        %sign3A_71 = arith.constant 0 : i32
        %sign3A_72 = arith.cmpi slt, %jit3A, %sign3A_71 : i32
        %sign3A_73 = arith.extui %sign3A_72 : i1 to i32
        %sign3A_74 = arith.subi %sign3A_70, %sign3A_73 : i32
        %ne3A = arith.cmpi ne, %sign3A_67, %sign3A_74 : i32
        %rem3A = arith.remsi %add3A_61, %jit3A : i32
        %ne3A_75 = arith.constant 0 : i32
        %ne3A_76 = arith.cmpi ne, %rem3A, %ne3A_75 : i32
        %and3A = arith.andi %ne3A, %ne3A_76 : i1
        %sub3A = arith.constant 1 : i32
        %sub3A_77 = arith.subi %div3A, %sub3A : i32
        %select_n3A = arith.select %and3A, %sub3A_77, %div3A : i32
        %broadcast_in_dim3A_78 = arith.constant 3.000000e+38 : f32
        %broadcast_in_dim3A_79 = vector.broadcast %broadcast_in_dim3A_78 : f32 to vector<16xf32>
        %broadcast_in_dim3A_80 = arith.constant 0.000000e+00 : f32
        %broadcast_in_dim3A_81 = vector.broadcast %broadcast_in_dim3A_80 : f32 to vector<16xf32>
        %while3A = arith.constant 30 : i32
        %while3A_82 = arith.constant 0.000000e+00 : f32
        %while3A_83:4 = scf.while (%while3A_84 = %while3A, %while3A_85 = %broadcast_in_dim3A_81, %while3A_86 = %broadcast_in_dim3A_81, %while3A_87 = %while3A_82) : (i32, vector<16xf32>, vector<16xf32>, f32) -> (i32, vector<16xf32>, vector<16xf32>, f32) {
          %gt3A = arith.constant 0 : i32
          %gt3A_88 = arith.cmpi sgt, %while3A_84, %gt3A : i32
          scf.condition(%gt3A_88) %while3A_84, %while3A_85, %while3A_86, %while3A_87 : i32, vector<16xf32>, vector<16xf32>, f32
        } do {
        ^bb0(%while3A_84: i32, %while3A_85: vector<16xf32>, %while3A_86: vector<16xf32>, %while3A_87: f32):
          %while3A_88 = arith.constant 0 : i32
          %while3A_89 = arith.subi %select_n3A, %while3A_88 : i32
          %while3A_90 = arith.addi %while3A_88, %while3A_89 : i32
          %while3A_91 = arith.constant 1 : i32
          %while3A_92 = arith.divsi %while3A_89, %while3A_91 : i32
          %while3A_93 = arith.muli %while3A_92, %while3A_91 : i32
          %while3A_94 = arith.addi %while3A_88, %while3A_93 : i32
          %while3A_95 = arith.constant 1 : i32
          %while3A_96 = scf.for %while3A_136 = %while3A_88 to %while3A_94 step %while3A_95 iter_args(%while3A_137 = %broadcast_in_dim3A_79) -> (vector<16xf32>)  : i32 {
            %mul3A_138 = arith.constant 16 : i32
            %mul3A_139 = arith.muli %while3A_136, %mul3A_138 : i32
            %get3A = arith.index_cast %mul3A_139 : i32 to index
            %get3A_140 = tpu.vector_load %arg6[%get3A] {strides = array<i32>} : memref<1040xf32, #tpu.memory_space<vmem>>, vector<16xf32>,
            %mul3A_141 = arith.constant 16 : i32
            %mul3A_142 = arith.muli %while3A_136, %mul3A_141 : i32
            %add3A_143 = vector.broadcast %mul3A_142 : i32 to vector<16xi32>
            %add3A_144 = arith.addi %add3A_143, %iota3A : vector<16xi32>
            %lt3A_145 = vector.broadcast %scan3A_58 : i32 to vector<16xi32>
            %lt3A_146 = arith.cmpi slt, %add3A_144, %lt3A_145 : vector<16xi32>
            %select_n3A_147 = arith.select %lt3A_146, %get3A_140, %broadcast_in_dim3A_79 : vector<16xi1>, vector<16xf32>
            %min3A_148 = arith.minimumf %while3A_137, %select_n3A_147 : vector<16xf32>
            scf.yield %min3A_148 : vector<16xf32>
          }
          %while3A_97 = arith.constant 1 : i32
          %while3A_98 = scf.for %while3A_136 = %while3A_94 to %while3A_90 step %while3A_97 iter_args(%while3A_137 = %while3A_96) -> (vector<16xf32>)  : i32 {
            %mul3A_138 = arith.constant 16 : i32
            %mul3A_139 = arith.muli %while3A_136, %mul3A_138 : i32
            %get3A = arith.index_cast %mul3A_139 : i32 to index
            %get3A_140 = tpu.vector_load %arg6[%get3A] {strides = array<i32>} : memref<1040xf32, #tpu.memory_space<vmem>>, vector<16xf32>,
            %mul3A_141 = arith.constant 16 : i32
            %mul3A_142 = arith.muli %while3A_136, %mul3A_141 : i32
            %add3A_143 = vector.broadcast %mul3A_142 : i32 to vector<16xi32>
            %add3A_144 = arith.addi %add3A_143, %iota3A : vector<16xi32>
            %lt3A_145 = vector.broadcast %scan3A_58 : i32 to vector<16xi32>
            %lt3A_146 = arith.cmpi slt, %add3A_144, %lt3A_145 : vector<16xi32>
            %select_n3A_147 = arith.select %lt3A_146, %get3A_140, %broadcast_in_dim3A_79 : vector<16xi1>, vector<16xf32>
            %min3A_148 = arith.minimumf %while3A_137, %select_n3A_147 : vector<16xf32>
            scf.yield %min3A_148 : vector<16xf32>
          }
          %reduce_min3A = arith.constant true
          %reduce_min3A_99 = vector.broadcast %reduce_min3A : i1 to vector<16xi1>
          %reduce_min3A_100 = tpu.scan <min>, %while3A_98 masked %reduce_min3A_99 : vector<16xf32>, vector<16xi1> -> vector<16xf32>
          %reduce_min3A_101 = vector.extract %reduce_min3A_100[15] : f32 from vector<16xf32>
          %broadcast_in_dim3A_102 = vector.broadcast %reduce_min3A_101 : f32 to vector<16xf32>
          %while3A_103 = arith.constant 0 : i32
          %while3A_104 = arith.constant 0 : i32
          %while3A_105 = arith.subi %select_n3A, %while3A_103 : i32
          %while3A_106 = arith.addi %while3A_103, %while3A_105 : i32
          %while3A_107 = arith.constant 1 : i32
          %while3A_108 = arith.divsi %while3A_105, %while3A_107 : i32
          %while3A_109 = arith.muli %while3A_108, %while3A_107 : i32
          %while3A_110 = arith.addi %while3A_103, %while3A_109 : i32
          %while3A_111 = arith.constant 1 : i32
          %while3A_112 = scf.for %while3A_136 = %while3A_103 to %while3A_110 step %while3A_111 iter_args(%while3A_137 = %while3A_104) -> (i32)  : i32 {
            %mul3A_138 = arith.constant 16 : i32
            %mul3A_139 = arith.muli %while3A_136, %mul3A_138 : i32
            %get3A = arith.index_cast %mul3A_139 : i32 to index
            %get3A_140 = tpu.vector_load %arg6[%get3A] {strides = array<i32>} : memref<1040xf32, #tpu.memory_space<vmem>>, vector<16xf32>,
            %mul3A_141 = arith.constant 16 : i32
            %mul3A_142 = arith.muli %while3A_136, %mul3A_141 : i32
            %add3A_143 = vector.broadcast %mul3A_142 : i32 to vector<16xi32>
            %add3A_144 = arith.addi %add3A_143, %iota3A : vector<16xi32>
            %lt3A_145 = vector.broadcast %scan3A_58 : i32 to vector<16xi32>
            %lt3A_146 = arith.cmpi slt, %add3A_144, %lt3A_145 : vector<16xi32>
            %select_n3A_147 = arith.select %lt3A_146, %get3A_140, %broadcast_in_dim3A_79 : vector<16xi1>, vector<16xf32>
            %eq3A = arith.cmpf oeq, %select_n3A_147, %broadcast_in_dim3A_102 : vector<16xf32>
            %select_n3A_148 = arith.select %eq3A, %broadcast_in_dim3A_79, %select_n3A_147 : vector<16xi1>, vector<16xf32>
            %mul3A_149 = arith.constant 16 : i32
            %mul3A_150 = arith.muli %while3A_136, %mul3A_149 : i32
            %swap3A_151 = arith.index_cast %mul3A_150 : i32 to index
            %swap3A_152 = tpu.vector_load %arg6[%swap3A_151] {strides = array<i32>} : memref<1040xf32, #tpu.memory_space<vmem>>, vector<16xf32>,
            tpu.vector_store %arg6[%swap3A_151], %select_n3A_148 {strides = array<i32>} : memref<1040xf32, #tpu.memory_space<vmem>>, vector<16xf32>,
            %convert_element_type3A_153 = arith.extui %eq3A : vector<16xi1> to vector<16xi32>
            %reduce_sum3A = arith.constant true
            %reduce_sum3A_154 = vector.broadcast %reduce_sum3A : i1 to vector<16xi1>
            %reduce_sum3A_155 = tpu.scan <sum>, %convert_element_type3A_153 masked %reduce_sum3A_154 : vector<16xi32>, vector<16xi1> -> vector<16xi32>
            %reduce_sum3A_156 = vector.extract %reduce_sum3A_155[15] : i32 from vector<16xi32>
            %add3A_157 = arith.addi %while3A_137, %reduce_sum3A_156 : i32
            scf.yield %add3A_157 : i32
          }
          %while3A_113 = arith.constant 1 : i32
          %while3A_114 = scf.for %while3A_136 = %while3A_110 to %while3A_106 step %while3A_113 iter_args(%while3A_137 = %while3A_112) -> (i32)  : i32 {
            %mul3A_138 = arith.constant 16 : i32
            %mul3A_139 = arith.muli %while3A_136, %mul3A_138 : i32
            %get3A = arith.index_cast %mul3A_139 : i32 to index
            %get3A_140 = tpu.vector_load %arg6[%get3A] {strides = array<i32>} : memref<1040xf32, #tpu.memory_space<vmem>>, vector<16xf32>,
            %mul3A_141 = arith.constant 16 : i32
            %mul3A_142 = arith.muli %while3A_136, %mul3A_141 : i32
            %add3A_143 = vector.broadcast %mul3A_142 : i32 to vector<16xi32>
            %add3A_144 = arith.addi %add3A_143, %iota3A : vector<16xi32>
            %lt3A_145 = vector.broadcast %scan3A_58 : i32 to vector<16xi32>
            %lt3A_146 = arith.cmpi slt, %add3A_144, %lt3A_145 : vector<16xi32>
            %select_n3A_147 = arith.select %lt3A_146, %get3A_140, %broadcast_in_dim3A_79 : vector<16xi1>, vector<16xf32>
            %eq3A = arith.cmpf oeq, %select_n3A_147, %broadcast_in_dim3A_102 : vector<16xf32>
            %select_n3A_148 = arith.select %eq3A, %broadcast_in_dim3A_79, %select_n3A_147 : vector<16xi1>, vector<16xf32>
            %mul3A_149 = arith.constant 16 : i32
            %mul3A_150 = arith.muli %while3A_136, %mul3A_149 : i32
            %swap3A_151 = arith.index_cast %mul3A_150 : i32 to index
            %swap3A_152 = tpu.vector_load %arg6[%swap3A_151] {strides = array<i32>} : memref<1040xf32, #tpu.memory_space<vmem>>, vector<16xf32>,
            tpu.vector_store %arg6[%swap3A_151], %select_n3A_148 {strides = array<i32>} : memref<1040xf32, #tpu.memory_space<vmem>>, vector<16xf32>,
            %convert_element_type3A_153 = arith.extui %eq3A : vector<16xi1> to vector<16xi32>
            %reduce_sum3A = arith.constant true
            %reduce_sum3A_154 = vector.broadcast %reduce_sum3A : i1 to vector<16xi1>
            %reduce_sum3A_155 = tpu.scan <sum>, %convert_element_type3A_153 masked %reduce_sum3A_154 : vector<16xi32>, vector<16xi1> -> vector<16xi32>
            %reduce_sum3A_156 = vector.extract %reduce_sum3A_155[15] : i32 from vector<16xi32>
            %add3A_157 = arith.addi %while3A_137, %reduce_sum3A_156 : i32
            scf.yield %add3A_157 : i32
          }
          %min3A = arith.minsi %while3A_114, %while3A_84 : i32
          %sub3A_115 = arith.constant 30 : i32
          %sub3A_116 = arith.subi %sub3A_115, %while3A_84 : i32
          %ge3A = vector.broadcast %sub3A_116 : i32 to vector<16xi32>
          %ge3A_117 = arith.cmpi sge, %iota3A, %ge3A : vector<16xi32>
          %add3A_118 = arith.addi %sub3A_116, %min3A : i32
          %lt3A = vector.broadcast %add3A_118 : i32 to vector<16xi32>
          %lt3A_119 = arith.cmpi slt, %iota3A, %lt3A : vector<16xi32>
          %and3A_120 = arith.andi %ge3A_117, %lt3A_119 : vector<16xi1>
          %add3A_121 = arith.constant 16 : i32
          %add3A_122 = vector.broadcast %add3A_121 : i32 to vector<16xi32>
          %add3A_123 = arith.addi %iota3A, %add3A_122 : vector<16xi32>
          %ge3A_124 = vector.broadcast %sub3A_116 : i32 to vector<16xi32>
          %ge3A_125 = arith.cmpi sge, %add3A_123, %ge3A_124 : vector<16xi32>
          %add3A_126 = arith.constant 16 : i32
          %add3A_127 = vector.broadcast %add3A_126 : i32 to vector<16xi32>
          %add3A_128 = arith.addi %iota3A, %add3A_127 : vector<16xi32>
          %add3A_129 = arith.addi %sub3A_116, %min3A : i32
          %lt3A_130 = vector.broadcast %add3A_129 : i32 to vector<16xi32>
          %lt3A_131 = arith.cmpi slt, %add3A_128, %lt3A_130 : vector<16xi32>
          %and3A_132 = arith.andi %ge3A_125, %lt3A_131 : vector<16xi1>
          %select_n3A_133 = arith.select %and3A_120, %broadcast_in_dim3A_102, %while3A_85 : vector<16xi1>, vector<16xf32>
          %select_n3A_134 = arith.select %and3A_132, %broadcast_in_dim3A_102, %while3A_86 : vector<16xi1>, vector<16xf32>
          %sub3A_135 = arith.subi %while3A_84, %min3A : i32
          scf.yield %sub3A_135, %select_n3A_133, %select_n3A_134, %reduce_min3A_101 : i32, vector<16xf32>, vector<16xf32>, f32
        }
        scf.yield %while3A_83#1, %while3A_83#2, %while3A_83#3 : vector<16xf32>, vector<16xf32>, f32
      }
      %swap3A = arith.constant 0 : index
      %swap3A_49 = tpu.vector_load %arg7[%swap3A] {strides = array<i32>} : memref<32xf32, #tpu.memory_space<vmem>>, vector<16xf32>,
      tpu.vector_store %arg7[%swap3A], %cond3A_48#0 {strides = array<i32>} : memref<32xf32, #tpu.memory_space<vmem>>, vector<16xf32>,
      %swap3A_50 = arith.constant 16 : index
      %swap3A_51 = tpu.vector_load %arg7[%swap3A_50] {strides = array<i32>} : memref<32xf32, #tpu.memory_space<vmem>>, vector<16xf32>,
      tpu.vector_store %arg7[%swap3A_50], %cond3A_48#1 {strides = array<i32>} : memref<32xf32, #tpu.memory_space<vmem>>, vector<16xf32>,
      %add3A_52 = arith.addi %mul3A_5, %scan3A_11 : i32
      "tpu.region"() ({
        %run_scoped3A = tpu.sem_alloc : memref<!tpu.dma_semaphore, #tpu.memory_space<semaphore_mem>>
        %dma_start3A_53 = arith.constant 0 : i32
        %dma_start3A_54 = tpu.memref_slice %arg3[%add3A_52, %dma_start3A_53] : memref<1024x32xf32, #tpu.memory_space<hbm>> -> memref<1x32xf32, #tpu.memory_space<hbm>>
        %dma_start3A_55 = tpu.memref_squeeze %dma_start3A_54 : memref<1x32xf32, #tpu.memory_space<hbm>> -> memref<32xf32, #tpu.memory_space<hbm>>
        %dma_start3A_56 = arith.constant 0 : i32
        %dma_start3A_57 = tpu.memref_slice %arg3[%add3A_52, %dma_start3A_56] : memref<1024x32xf32, #tpu.memory_space<hbm>> -> memref<1x32xf32, #tpu.memory_space<hbm>>
        %dma_start3A_58 = tpu.memref_squeeze %dma_start3A_57 : memref<1x32xf32, #tpu.memory_space<hbm>> -> memref<32xf32, #tpu.memory_space<hbm>>
        tpu.enqueue_dma source(%arg7 : memref<32xf32, #tpu.memory_space<vmem>>) target(%dma_start3A_58 : memref<32xf32, #tpu.memory_space<hbm>>) target_semaphore(%run_scoped3A : memref<!tpu.dma_semaphore, #tpu.memory_space<semaphore_mem>>)
        %dma_wait3A_59 = arith.constant 0 : i32
        %dma_wait3A_60 = tpu.memref_slice %arg3[%add3A_52, %dma_wait3A_59] : memref<1024x32xf32, #tpu.memory_space<hbm>> -> memref<1x32xf32, #tpu.memory_space<hbm>>
        %dma_wait3A_61 = tpu.memref_squeeze %dma_wait3A_60 : memref<1x32xf32, #tpu.memory_space<hbm>> -> memref<32xf32, #tpu.memory_space<hbm>>
        %dma_wait3A_62 = arith.constant 0 : i32
        %dma_wait3A_63 = tpu.memref_slice %arg3[%add3A_52, %dma_wait3A_62] : memref<1024x32xf32, #tpu.memory_space<hbm>> -> memref<1x32xf32, #tpu.memory_space<hbm>>
        %dma_wait3A_64 = tpu.memref_squeeze %dma_wait3A_63 : memref<1x32xf32, #tpu.memory_space<hbm>> -> memref<32xf32, #tpu.memory_space<hbm>>
        tpu.wait_dma2 semaphore(%run_scoped3A : memref<!tpu.dma_semaphore, #tpu.memory_space<semaphore_mem>>) src(%arg7 : memref<32xf32, #tpu.memory_space<vmem>>) dst(%dma_wait3A_64 : memref<32xf32, #tpu.memory_space<hbm>>)
        tpu.yield
      }) : () -> ()
    }
    %scan3A_10 = arith.constant 32 : i32
    return
  }
}

module attributes {stable_mosaic.version = 14 : i64} {
  func.func @_alpha_body(%arg0: memref<1024x256xf32, #tpu.memory_space<vmem>>, %arg1: memref<256x256xf32, #tpu.memory_space<vmem>>, %arg2: memref<1x256xf32, #tpu.memory_space<vmem>>, %arg3: memref<256x256xf32, #tpu.memory_space<vmem>>, %arg4: memref<1x256xf32, #tpu.memory_space<vmem>>, %arg5: memref<1x256xf32, #tpu.memory_space<vmem>>, %arg6: memref<1x1xf32, #tpu.memory_space<vmem>>, %arg7: memref<256x256xf32, #tpu.memory_space<vmem>>, %arg8: memref<1x256xf32, #tpu.memory_space<vmem>>, %arg9: memref<256x256xf32, #tpu.memory_space<vmem>>, %arg10: memref<1x256xf32, #tpu.memory_space<vmem>>, %arg11: memref<1x256xf32, #tpu.memory_space<vmem>>, %arg12: memref<1x1xf32, #tpu.memory_space<vmem>>, %arg13: memref<1024x1xf32, #tpu.memory_space<vmem>>) attributes {dimension_semantics = [], scalar_prefetch = 0 : i64, scratch_operands = 0 : i64, tpu.core_type = #tpu.core_type<tc>} {
    %get3A = arith.constant 0 : index
    %get3A_0 = arith.constant 0 : index
    %get3A_1 = vector.load %arg0[%get3A, %get3A_0] : memref<1024x256xf32, #tpu.memory_space<vmem>>, vector<1024x256xf32>
    %get3A_2 = arith.constant 0 : index
    %get3A_3 = arith.constant 0 : index
    %get3A_4 = vector.load %arg7[%get3A_2, %get3A_3] : memref<256x256xf32, #tpu.memory_space<vmem>>, vector<256x256xf32>
    %get3A_5 = arith.constant 0 : index
    %get3A_6 = arith.constant 0 : index
    %get3A_7 = vector.load %arg8[%get3A_5, %get3A_6] : memref<1x256xf32, #tpu.memory_space<vmem>>, vector<1x256xf32>
    %get3A_8 = arith.constant 0 : index
    %get3A_9 = arith.constant 0 : index
    %get3A_10 = vector.load %arg9[%get3A_8, %get3A_9] : memref<256x256xf32, #tpu.memory_space<vmem>>, vector<256x256xf32>
    %get3A_11 = arith.constant 0 : index
    %get3A_12 = arith.constant 0 : index
    %get3A_13 = vector.load %arg10[%get3A_11, %get3A_12] : memref<1x256xf32, #tpu.memory_space<vmem>>, vector<1x256xf32>
    %get3A_14 = arith.constant 0 : index
    %get3A_15 = arith.constant 0 : index
    %get3A_16 = vector.load %arg11[%get3A_14, %get3A_15] : memref<1x256xf32, #tpu.memory_space<vmem>>, vector<1x256xf32>
    %get3A_17 = arith.constant 0 : index
    %get3A_18 = arith.constant 0 : index
    %get3A_19 = vector.load %arg12[%get3A_17, %get3A_18] : memref<1x1xf32, #tpu.memory_space<vmem>>, vector<1x1xf32>
    %get3A_20 = vector.extract %get3A_19[0, 0] : f32 from vector<1x1xf32>
    %dot_general3A = arith.constant dense<0.000000e+00> : vector<1024x256xf32>
    %dot_general3A_21 = tpu.matmul %get3A_1, %get3A_4, %dot_general3A {dimension_numbers = #tpu.dot_dimension_numbers<[1], [1], [0], [0], [0, 0, 1, 0], [], []>, transpose_lhs_hint = false} : vector<1024x256xf32>, vector<256x256xf32>, vector<1024x256xf32> -> vector<1024x256xf32>
    %add3A = vector.broadcast %get3A_7 : vector<1x256xf32> to vector<1024x256xf32>
    %add3A_22 = arith.addf %dot_general3A_21, %add3A : vector<1024x256xf32>
    %max3A = arith.constant 0.000000e+00 : f32
    %max3A_23 = vector.broadcast %max3A : f32 to vector<1024x256xf32>
    %max3A_24 = arith.maximumf %add3A_22, %max3A_23 : vector<1024x256xf32>
    %dot_general3A_25 = arith.constant dense<0.000000e+00> : vector<1024x256xf32>
    %dot_general3A_26 = tpu.matmul %max3A_24, %get3A_10, %dot_general3A_25 {dimension_numbers = #tpu.dot_dimension_numbers<[1], [1], [0], [0], [0, 0, 1, 0], [], []>, transpose_lhs_hint = false} : vector<1024x256xf32>, vector<256x256xf32>, vector<1024x256xf32> -> vector<1024x256xf32>
    %add3A_27 = vector.broadcast %get3A_13 : vector<1x256xf32> to vector<1024x256xf32>
    %add3A_28 = arith.addf %dot_general3A_26, %add3A_27 : vector<1024x256xf32>
    %max3A_29 = arith.constant 0.000000e+00 : f32
    %max3A_30 = vector.broadcast %max3A_29 : f32 to vector<1024x256xf32>
    %max3A_31 = arith.maximumf %add3A_28, %max3A_30 : vector<1024x256xf32>
    %mul3A = vector.broadcast %get3A_16 : vector<1x256xf32> to vector<1024x256xf32>
    %mul3A_32 = arith.mulf %max3A_31, %mul3A : vector<1024x256xf32>
    %reduce_sum3A = arith.constant dense<0.000000e+00> : vector<1024xf32>
    %reduce_sum3A_33 = vector.multi_reduction <add>, %mul3A_32, %reduce_sum3A [1] : vector<1024x256xf32> to vector<1024xf32>
    %broadcast_in_dim3A = vector.shape_cast %reduce_sum3A_33 : vector<1024xf32> to vector<1024x1xf32>
    %add3A_34 = vector.broadcast %get3A_20 : f32 to vector<1024x1xf32>
    %add3A_35 = arith.addf %broadcast_in_dim3A, %add3A_34 : vector<1024x1xf32>
    %get3A_36 = arith.constant 0 : index
    %get3A_37 = arith.constant 0 : index
    %get3A_38 = vector.load %arg1[%get3A_36, %get3A_37] : memref<256x256xf32, #tpu.memory_space<vmem>>, vector<256x256xf32>
    %get3A_39 = arith.constant 0 : index
    %get3A_40 = arith.constant 0 : index
    %get3A_41 = vector.load %arg2[%get3A_39, %get3A_40] : memref<1x256xf32, #tpu.memory_space<vmem>>, vector<1x256xf32>
    %get3A_42 = arith.constant 0 : index
    %get3A_43 = arith.constant 0 : index
    %get3A_44 = vector.load %arg3[%get3A_42, %get3A_43] : memref<256x256xf32, #tpu.memory_space<vmem>>, vector<256x256xf32>
    %get3A_45 = arith.constant 0 : index
    %get3A_46 = arith.constant 0 : index
    %get3A_47 = vector.load %arg4[%get3A_45, %get3A_46] : memref<1x256xf32, #tpu.memory_space<vmem>>, vector<1x256xf32>
    %get3A_48 = arith.constant 0 : index
    %get3A_49 = arith.constant 0 : index
    %get3A_50 = vector.load %arg5[%get3A_48, %get3A_49] : memref<1x256xf32, #tpu.memory_space<vmem>>, vector<1x256xf32>
    %get3A_51 = arith.constant 0 : index
    %get3A_52 = arith.constant 0 : index
    %get3A_53 = vector.load %arg6[%get3A_51, %get3A_52] : memref<1x1xf32, #tpu.memory_space<vmem>>, vector<1x1xf32>
    %get3A_54 = vector.extract %get3A_53[0, 0] : f32 from vector<1x1xf32>
    %dot_general3A_55 = arith.constant dense<0.000000e+00> : vector<1024x256xf32>
    %dot_general3A_56 = tpu.matmul %get3A_1, %get3A_38, %dot_general3A_55 {dimension_numbers = #tpu.dot_dimension_numbers<[1], [1], [0], [0], [0, 0, 1, 0], [], []>, transpose_lhs_hint = false} : vector<1024x256xf32>, vector<256x256xf32>, vector<1024x256xf32> -> vector<1024x256xf32>
    %add3A_57 = vector.broadcast %get3A_41 : vector<1x256xf32> to vector<1024x256xf32>
    %add3A_58 = arith.addf %dot_general3A_56, %add3A_57 : vector<1024x256xf32>
    %max3A_59 = arith.constant 0.000000e+00 : f32
    %max3A_60 = vector.broadcast %max3A_59 : f32 to vector<1024x256xf32>
    %max3A_61 = arith.maximumf %add3A_58, %max3A_60 : vector<1024x256xf32>
    %dot_general3A_62 = arith.constant dense<0.000000e+00> : vector<1024x256xf32>
    %dot_general3A_63 = tpu.matmul %max3A_61, %get3A_44, %dot_general3A_62 {dimension_numbers = #tpu.dot_dimension_numbers<[1], [1], [0], [0], [0, 0, 1, 0], [], []>, transpose_lhs_hint = false} : vector<1024x256xf32>, vector<256x256xf32>, vector<1024x256xf32> -> vector<1024x256xf32>
    %add3A_64 = vector.broadcast %get3A_47 : vector<1x256xf32> to vector<1024x256xf32>
    %add3A_65 = arith.addf %dot_general3A_63, %add3A_64 : vector<1024x256xf32>
    %max3A_66 = arith.constant 0.000000e+00 : f32
    %max3A_67 = vector.broadcast %max3A_66 : f32 to vector<1024x256xf32>
    %max3A_68 = arith.maximumf %add3A_65, %max3A_67 : vector<1024x256xf32>
    %mul3A_69 = vector.broadcast %get3A_50 : vector<1x256xf32> to vector<1024x256xf32>
    %mul3A_70 = arith.mulf %max3A_68, %mul3A_69 : vector<1024x256xf32>
    %reduce_sum3A_71 = arith.constant dense<0.000000e+00> : vector<1024xf32>
    %reduce_sum3A_72 = vector.multi_reduction <add>, %mul3A_70, %reduce_sum3A_71 [1] : vector<1024x256xf32> to vector<1024xf32>
    %broadcast_in_dim3A_73 = vector.shape_cast %reduce_sum3A_72 : vector<1024xf32> to vector<1024x1xf32>
    %add3A_74 = vector.broadcast %get3A_54 : f32 to vector<1024x1xf32>
    %add3A_75 = arith.addf %broadcast_in_dim3A_73, %add3A_74 : vector<1024x1xf32>
    %sub3A = arith.subf %add3A_35, %add3A_75 : vector<1024x1xf32>
    %integer_pow3A = arith.mulf %sub3A, %sub3A : vector<1024x1xf32>
    %reduce_sum3A_76 = vector.shape_cast %integer_pow3A : vector<1024x1xf32> to vector<1x1024x1xf32>
    %reduce_sum3A_77 = arith.constant dense<0.000000e+00> : vector<1xf32>
    %reduce_sum3A_78 = vector.multi_reduction <add>, %reduce_sum3A_76, %reduce_sum3A_77 [1, 2] : vector<1x1024x1xf32> to vector<1xf32>
    %reduce_sum3A_79 = vector.shape_cast %reduce_sum3A_78 : vector<1xf32> to vector<1x1x1xf32>
    %reduce_sum3A_80 = vector.extract %reduce_sum3A_79[0, 0, 0] : f32 from vector<1x1x1xf32>
    %div3A = arith.constant 1.024000e+03 : f32
    %div3A_81 = arith.divf %reduce_sum3A_80, %div3A : f32
    %sub3A_82 = vector.broadcast %div3A_81 : f32 to vector<1024x1xf32>
    %sub3A_83 = arith.subf %integer_pow3A, %sub3A_82 : vector<1024x1xf32>
    %integer_pow3A_84 = arith.mulf %sub3A_83, %sub3A_83 : vector<1024x1xf32>
    %reduce_sum3A_85 = vector.shape_cast %integer_pow3A_84 : vector<1024x1xf32> to vector<1x1024x1xf32>
    %reduce_sum3A_86 = arith.constant dense<0.000000e+00> : vector<1xf32>
    %reduce_sum3A_87 = vector.multi_reduction <add>, %reduce_sum3A_85, %reduce_sum3A_86 [1, 2] : vector<1x1024x1xf32> to vector<1xf32>
    %reduce_sum3A_88 = vector.shape_cast %reduce_sum3A_87 : vector<1xf32> to vector<1x1x1xf32>
    %reduce_sum3A_89 = vector.extract %reduce_sum3A_88[0, 0, 0] : f32 from vector<1x1x1xf32>
    %div3A_90 = arith.constant 1.024000e+03 : f32
    %div3A_91 = arith.divf %reduce_sum3A_89, %div3A_90 : f32
    %add3A_92 = arith.constant 9.99999993E-9 : f32
    %add3A_93 = arith.addf %div3A_91, %add3A_92 : f32
    %sqrt3A = math.sqrt %add3A_93 : f32
    %div3A_94 = vector.broadcast %sqrt3A : f32 to vector<1024x1xf32>
    %div3A_95 = arith.divf %integer_pow3A, %div3A_94 : vector<1024x1xf32>
    %jit3A = arith.constant 1.000000e+00 : f32
    %jit3A_96 = arith.constant 5.000000e+00 : f32
    %max3A_97 = vector.broadcast %jit3A : f32 to vector<1024x1xf32>
    %max3A_98 = arith.maximumf %max3A_97, %div3A_95 : vector<1024x1xf32>
    %min3A = vector.broadcast %jit3A_96 : f32 to vector<1024x1xf32>
    %min3A_99 = arith.minimumf %min3A, %max3A_98 : vector<1024x1xf32>
    %swap3A = arith.constant 0 : index
    %swap3A_100 = arith.constant 0 : index
    %swap3A_101 = vector.load %arg13[%swap3A, %swap3A_100] : memref<1024x1xf32, #tpu.memory_space<vmem>>, vector<1024x1xf32>
    tpu.vector_store %arg13[%swap3A, %swap3A_100], %min3A_99 {strides = array<i32>} : memref<1024x1xf32, #tpu.memory_space<vmem>>, vector<1024x1xf32>,
    return
  }
}

module attributes {stable_mosaic.version = 14 : i64} {
  func.func @_combine_body(%arg0: memref<1024x32xf32, #tpu.memory_space<vmem>>, %arg1: memref<1024x1xf32, #tpu.memory_space<vmem>>, %arg2: memref<1024x1xf32, #tpu.memory_space<vmem>>) attributes {dimension_semantics = [], scalar_prefetch = 0 : i64, scratch_operands = 0 : i64, tpu.core_type = #tpu.core_type<tc>} {
    %get3A = arith.constant 0 : index
    %get3A_0 = arith.constant 0 : index
    %get3A_1 = vector.load %arg0[%get3A, %get3A_0] : memref<1024x32xf32, #tpu.memory_space<vmem>>, vector<1024x32xf32>
    %iota3A = tpu.iota {dimensions = array<i32: 1>} : vector<1024x32xi32>
    %lt3A = arith.constant 30 : i32
    %lt3A_2 = vector.broadcast %lt3A : i32 to vector<1024x32xi32>
    %lt3A_3 = arith.cmpi slt, %iota3A, %lt3A_2 : vector<1024x32xi32>
    %max3A = arith.constant 9.99999996E-13 : f32
    %max3A_4 = vector.broadcast %max3A : f32 to vector<1024x32xf32>
    %max3A_5 = arith.maximumf %get3A_1, %max3A_4 : vector<1024x32xf32>
    %sqrt3A = math.sqrt %max3A_5 : vector<1024x32xf32>
    %mul3A = arith.mulf %sqrt3A, %sqrt3A : vector<1024x32xf32>
    %jit3A = arith.constant 0.000000e+00 : f32
    %broadcast_in_dim3A = vector.broadcast %jit3A : f32 to vector<1024x32xf32>
    %select_n3A = arith.select %lt3A_3, %mul3A, %broadcast_in_dim3A : vector<1024x32xi1>, vector<1024x32xf32>
    %reduce_sum3A = arith.constant dense<0.000000e+00> : vector<1024xf32>
    %reduce_sum3A_6 = vector.multi_reduction <add>, %select_n3A, %reduce_sum3A [1] : vector<1024x32xf32> to vector<1024xf32>
    %broadcast_in_dim3A_7 = vector.shape_cast %reduce_sum3A_6 : vector<1024xf32> to vector<1024x1xf32>
    %div3A = arith.constant 3.000000e+01 : f32
    %div3A_8 = vector.broadcast %div3A : f32 to vector<1024x1xf32>
    %div3A_9 = arith.divf %broadcast_in_dim3A_7, %div3A_8 : vector<1024x1xf32>
    %mul3A_10 = arith.constant 0.00999999977 : f32
    %mul3A_11 = vector.broadcast %mul3A_10 : f32 to vector<1024x1xf32>
    %mul3A_12 = arith.mulf %mul3A_11, %div3A_9 : vector<1024x1xf32>
    %add3A = arith.constant 9.89999971E-4 : f32
    %add3A_13 = vector.broadcast %add3A : f32 to vector<1024x1xf32>
    %add3A_14 = arith.addf %add3A_13, %mul3A_12 : vector<1024x1xf32>
    %div3A_15 = vector.broadcast %add3A_14 : vector<1024x1xf32> to vector<1024x32xf32>
    %div3A_16 = arith.divf %mul3A, %div3A_15 : vector<1024x32xf32>
    %add3A_17 = arith.constant 1.000000e-03 : f32
    %add3A_18 = vector.broadcast %add3A_17 : f32 to vector<1024x32xf32>
    %add3A_19 = arith.addf %div3A_16, %add3A_18 : vector<1024x32xf32>
    %div3A_20 = arith.constant 1.000000e-03 : f32
    %div3A_21 = vector.broadcast %div3A_20 : f32 to vector<1024x32xf32>
    %div3A_22 = arith.divf %div3A_21, %add3A_19 : vector<1024x32xf32>
    %jit3A_23 = arith.constant 0.000000e+00 : f32
    %broadcast_in_dim3A_24 = vector.broadcast %jit3A_23 : f32 to vector<1024x32xf32>
    %select_n3A_25 = arith.select %lt3A_3, %div3A_22, %broadcast_in_dim3A_24 : vector<1024x32xi1>, vector<1024x32xf32>
    %reduce_sum3A_26 = arith.constant dense<0.000000e+00> : vector<1024xf32>
    %reduce_sum3A_27 = vector.multi_reduction <add>, %select_n3A_25, %reduce_sum3A_26 [1] : vector<1024x32xf32> to vector<1024xf32>
    %broadcast_in_dim3A_28 = vector.shape_cast %reduce_sum3A_27 : vector<1024xf32> to vector<1024x1xf32>
    %add3A_29 = arith.constant 1.000000e-03 : f32
    %add3A_30 = vector.broadcast %add3A_29 : f32 to vector<1024x1xf32>
    %add3A_31 = arith.addf %broadcast_in_dim3A_28, %add3A_30 : vector<1024x1xf32>
    %sqrt3A_32 = math.sqrt %add3A_31 : vector<1024x1xf32>
    %div3A_33 = arith.constant 1.000000e+00 : f32
    %div3A_34 = vector.broadcast %div3A_33 : f32 to vector<1024x1xf32>
    %div3A_35 = arith.divf %div3A_34, %sqrt3A_32 : vector<1024x1xf32>
    %get3A_36 = arith.constant 0 : index
    %get3A_37 = arith.constant 0 : index
    %get3A_38 = vector.load %arg1[%get3A_36, %get3A_37] : memref<1024x1xf32, #tpu.memory_space<vmem>>, vector<1024x1xf32>
    %mul3A_39 = arith.mulf %div3A_35, %get3A_38 : vector<1024x1xf32>
    %swap3A = arith.constant 0 : index
    %swap3A_40 = arith.constant 0 : index
    %swap3A_41 = vector.load %arg2[%swap3A, %swap3A_40] : memref<1024x1xf32, #tpu.memory_space<vmem>>, vector<1024x1xf32>
    tpu.vector_store %arg2[%swap3A, %swap3A_40], %mul3A_39 {strides = array<i32>} : memref<1024x1xf32, #tpu.memory_space<vmem>>, vector<1024x1xf32>,
    return
  }
}

module attributes {stable_mosaic.version = 14 : i64} {
  func.func @_dist_body(%arg0: i32, %arg1: i32, %arg2: memref<256x256xf32, #tpu.memory_space<vmem>>, %arg3: memref<2048x256xf32, #tpu.memory_space<vmem>>, %arg4: memref<256x2048xf32, #tpu.memory_space<vmem>>) attributes {dimension_semantics = [#tpu.dimension_semantics<arbitrary>, #tpu.dimension_semantics<arbitrary>], iteration_bounds = array<i64: 32, 4>, scalar_prefetch = 0 : i64, scratch_operands = 0 : i64, tpu.core_type = #tpu.core_type<tc>, window_params = [{transform_indices = @transform_0, window_bounds = array<i64: 256, 256>}, {transform_indices = @transform_1, window_bounds = array<i64: 2048, 256>}, {transform_indices = @transform_2, window_bounds = array<i64: 256, 2048>}]} {
    %get3A = arith.constant 0 : index
    %get3A_0 = arith.constant 0 : index
    %get3A_1 = vector.load %arg2[%get3A, %get3A_0] : memref<256x256xf32, #tpu.memory_space<vmem>>, vector<256x256xf32>
    %get3A_2 = arith.constant 0 : index
    %get3A_3 = arith.constant 0 : index
    %get3A_4 = vector.load %arg3[%get3A_2, %get3A_3] : memref<2048x256xf32, #tpu.memory_space<vmem>>, vector<2048x256xf32>
    %mul3A = arith.mulf %get3A_1, %get3A_1 : vector<256x256xf32>
    %reduce_sum3A = arith.constant dense<0.000000e+00> : vector<256xf32>
    %reduce_sum3A_5 = vector.multi_reduction <add>, %mul3A, %reduce_sum3A [1] : vector<256x256xf32> to vector<256xf32>
    %broadcast_in_dim3A = vector.shape_cast %reduce_sum3A_5 : vector<256xf32> to vector<256x1xf32>
    %broadcast_in_dim3A_6 = arith.constant 1.000000e+00 : f32
    %broadcast_in_dim3A_7 = vector.broadcast %broadcast_in_dim3A_6 : f32 to vector<8x256xf32>
    %mul3A_8 = arith.mulf %get3A_4, %get3A_4 : vector<2048x256xf32>
    %dot_general3A = arith.constant dense<0.000000e+00> : vector<8x2048xf32>
    %dot_general3A_9 = tpu.matmul %broadcast_in_dim3A_7, %mul3A_8, %dot_general3A {dimension_numbers = #tpu.dot_dimension_numbers<[1], [1], [0], [0], [0, 0, 1, 0], [], []>, transpose_lhs_hint = false} : vector<8x256xf32>, vector<2048x256xf32>, vector<8x2048xf32> -> vector<8x2048xf32>
    %dot_general3A_10 = arith.constant dense<0.000000e+00> : vector<256x2048xf32>
    %dot_general3A_11 = tpu.matmul %get3A_1, %get3A_4, %dot_general3A_10 {dimension_numbers = #tpu.dot_dimension_numbers<[1], [1], [0], [0], [0, 0, 1, 0], [], []>, transpose_lhs_hint = false} : vector<256x256xf32>, vector<2048x256xf32>, vector<256x2048xf32> -> vector<256x2048xf32>
    %slice3A = vector.extract_strided_slice %dot_general3A_9 {offsets = [0, 0], sizes = [1, 2048], strides = [1, 1]} : vector<8x2048xf32> to vector<1x2048xf32>
    %add3A = vector.broadcast %broadcast_in_dim3A : vector<256x1xf32> to vector<256x2048xf32>
    %add3A_12 = vector.broadcast %slice3A : vector<1x2048xf32> to vector<256x2048xf32>
    %add3A_13 = arith.addf %add3A, %add3A_12 : vector<256x2048xf32>
    %mul3A_14 = arith.constant 2.000000e+00 : f32
    %mul3A_15 = vector.broadcast %mul3A_14 : f32 to vector<256x2048xf32>
    %mul3A_16 = arith.mulf %mul3A_15, %dot_general3A_11 : vector<256x2048xf32>
    %sub3A = arith.subf %add3A_13, %mul3A_16 : vector<256x2048xf32>
    %swap3A = arith.constant 0 : index
    %swap3A_17 = arith.constant 0 : index
    %swap3A_18 = vector.load %arg4[%swap3A, %swap3A_17] : memref<256x2048xf32, #tpu.memory_space<vmem>>, vector<256x2048xf32>
    tpu.vector_store %arg4[%swap3A, %swap3A_17], %sub3A {strides = array<i32>} : memref<256x2048xf32, #tpu.memory_space<vmem>>, vector<256x2048xf32>,
    return
  }
  func.func @transform_0(%arg0: i32, %arg1: i32) -> (i32, i32) {
    %c0_i32 = arith.constant 0 : i32
    %c0_i32_0 = arith.constant 0 : i32
    return %arg1, %c0_i32 : i32, i32
  }
  func.func @transform_1(%arg0: i32, %arg1: i32) -> (i32, i32) {
    %c0_i32 = arith.constant 0 : i32
    %c0_i32_0 = arith.constant 0 : i32
    return %arg0, %c0_i32 : i32, i32
  }
  func.func @transform_2(%arg0: i32, %arg1: i32) -> (i32, i32) {
    %c0_i32 = arith.constant 0 : i32
    return %arg1, %arg0 : i32, i32
  }
}

</mosaic_0001>

<sc_bundles>
// kernel: kernel.6.cloned.1.call-start
scs
__scs_entry_jumppad:
0x0: {  	(pc) =	sbr.rel $0x88, $3  }
0x1: {  	(tag) =	ssettag $0x0;
	lr =	simm.s32 $0x1  }
0x2: {  	[smem:$0x3F93] =	sst lr;
	_ =	strace $0xD0000000  }
0x3: {  	_ = 	snop  }
0x4: {  	_ = 	snop  }
0x5: {  	_ = 	snop  }
0x6: {  	_ = 	snop  }
0x7: {  	_ = 	snop  }
__scs_overlays_trampoline_lowered:
0x8: {  	[smem:$0x3FA2] =	sst s0  }
0x9: {  	[smem:$0x3FA3] =	sst s1  }
0xa: {  	[smem:$0x3FA4] =	sst s2  }
0xb: {  	[smem:$0x3FA5] =	sst s3  }
0xc: {  	[smem:$0x3FA6] =	sst s4  }
0xd: {  	[smem:$0x3FA7] =	sst s5  }
0xe: {  	[smem:$0x3FA8] =	sst s6  }
0xf: {  	[smem:$0x3FA9] =	sst s7  }
0x10: {  	[smem:$0x3FAA] =	sst s8  }
0x11: {  	[smem:$0x3FAB] =	sst s9;
	s0 =	simm.s32 @!p0 $0x0  }
0x12: {  	s1 =	sld [smem:$0x3F91];
	s0 =	simm.s32 @p0 $0x1  }
0x13: {  	[smem:$0x3FAC] =	sst s0;
	s0 =	simm.s32 @!p1 $0x0  }
0x14: {  	s2 =	sld [smem:$0x3F90];
	s0 =	simm.s32 @p1 $0x1  }
0x15: {  	[smem:$0x3FAD] =	sst s0;
	s0 =	simm.s32 @!p2 $0x0  }
0x16: {  	s3 =	sld [smem:$0x3FDB];
	s0 =	simm.s32 @p2 $0x1  }
0x17: {  	s4 =	simm.s32 $0x1BF5;
	[smem:$0x3FAF] =	sst s0  }
0x18: {  	s0 =	sld [smem:$0x3F92];
	_ =	swait.ge [sflag:s4], $0x0  }
0x19: {  	s7 =	sld [smem:$0x3F93]  }
0x1a: {  	s8 =	sadd.s32 $0xFFFFE003, lr  }
0x1b: {  	s9 =	sadd.s32 $0xFFFFFEF7, lr;
	s5 =	simm.s32 $0xFFFFFFFF;
	p2 =	slt.u32 s8, $0xFFFFF086  }
0x1c: {  	p1 =	slt.u32 s9, $0xF7A;
	s5 =	simm.s32 @!p2 $0x0  }
0x1d: {  	s5 =	simm.s32 @p1 $0x1;
	p0 =	seq.s32 s7, s2  }
0x1e: {  	s7 =	smul.u32 @!p0 $0xF7A, s2;
	p2 =	seq.s32 @!p0 s5, $0x0  }
0x1f: {  	s9 =	smul.u32 $0xF7A, s1;
	s8 =	simm.s32 @!p0 $0x1BF5;
	p2 =	por !p2, p0  }
0x20: {  	[sflag:s8] =	ssyncset.s32 @!p0 $0xFFFFF086;
	s6 =	sadd.s32 @!p0 s3, s7;
	s7 =	simm.s32 @!p0 $0x108  }
0x21: {  	s3 =	sadd.s32 s3, s9;
	s6 =	sadd.s32 @!p0 $0x88, s6;
	s7 =	simm.s32 @p2 $0x1082  }
0x22: {  	[simem:s7], [sflag:s8] =	dma.local @!p0 [hbm:s6], $0xF7A  }
0x23: {  	s9 =	sor.u32 $0xD0000000, s2;
	s6 =	simm.s32 $0x108;
	_ =	swait.ge @!p0 [sflag:s8], $0x0  }
0x24: {  	s3 =	sadd.s32 $0x88, s3;
	s6 =	simm.s32 @!p1 $0x1082;
	[sflag:s4] =	ssyncset.s32 $0xFFFFF086  }
0x25: {  	[simem:s6], [sflag:s4] =	dma.local [hbm:s3], $0xF7A  }
0x26: {  	[smem:$0x3F93] =	sst s1;
	(tag) =	ssettag s2;
	_ =	strace s9  }
0x27: {  	s1 =	sld [smem:$0x3FA3]  }
0x28: {  	s2 =	sld [smem:$0x3FA4]  }
0x29: {  	s4 =	sld [smem:$0x3FA6]  }
0x2a: {  	p0 =	seq.s32 s5, $0x0;
	s5 =	sld [smem:$0x3FA7]  }
0x2b: {  	s6 =	sld [smem:$0x3FA8]  }
0x2c: {  	s7 =	sld [smem:$0x3FA9]  }
0x2d: {  	s3 =	simm.s32 $0x108;
	s8 =	sld [smem:$0x3FAA]  }
0x2e: {  	s3 =	simm.s32 @!p0 $0x1082;
	s9 =	sld [smem:$0x3FAB]  }
0x2f: {  	lr =	sadd.s32 s0, s3;
	s0 =	sld [smem:$0x3FA2]  }
0x30: {  	s3 =	sld [smem:$0x3FA5]  }
0x31: {  	[smem:$0x3FAE] =	sst s10  }
0x32: {  	s10 =	sld [smem:$0x3FAC];
	_ =	sdelay $0x3  }
0x33: {  	p0 =	seq.s32 s10, $0x1;
	s10 =	sld [smem:$0x3FAE];
	_ =	sdelay $0x3  }
0x34: {  	[smem:$0x3FAE] =	sst s10  }
0x35: {  	s10 =	sld [smem:$0x3FAD];
	_ =	sdelay $0x3  }
0x36: {  	p1 =	seq.s32 s10, $0x1;
	s10 =	sld [smem:$0x3FAE];
	_ =	sdelay $0x3  }
0x37: {  	[smem:$0x3FAE] =	sst s10  }
0x38: {  	s10 =	sld [smem:$0x3FAF]  }
0x39: {  	_ = 	snop;
	(pc) =	sbr.ind lr, $3  }
0x3a: {  	_ = 	snop  }
0x3b: {  	_ = 	snop  }
0x3c: {  	p2 =	seq.s32 s10, $0x1;
	s10 =	sld [smem:$0x3FAE]  }
0x3d: {  	_ =	shalt  }
0x3e: {  	_ =	shalt  }
0x3f: {  	_ =	shalt  }
0x40: {  	_ =	shalt  }
0x41: {  	_ =	shalt  }
0x42: {  	_ =	shalt  }
0x43: {  	_ =	shalt  }
0x44: {  	_ =	shalt  }
0x45: {  	_ =	shalt  }
0x46: {  	_ =	shalt  }
0x47: {  	_ =	shalt  }
0x48: {  	_ =	shalt  }
0x49: {  	_ =	shalt  }
0x4a: {  	_ =	shalt  }
0x4b: {  	_ =	shalt  }
0x4c: {  	_ =	shalt  }
0x4d: {  	_ =	shalt  }
0x4e: {  	_ =	shalt  }
0x4f: {  	_ =	shalt  }
0x50: {  	_ =	shalt  }
0x51: {  	_ =	shalt  }
0x52: {  	_ =	shalt  }
0x53: {  	_ =	shalt  }
0x54: {  	_ =	shalt  }
0x55: {  	_ =	shalt  }
0x56: {  	_ =	shalt  }
0x57: {  	_ =	shalt  }
0x58: {  	_ =	shalt  }
0x59: {  	_ =	shalt  }
0x5a: {  	_ =	shalt  }
0x5b: {  	_ =	shalt  }
0x5c: {  	_ =	shalt  }
0x5d: {  	_ =	shalt  }
0x5e: {  	_ =	shalt  }
0x5f: {  	_ =	shalt  }
0x60: {  	_ =	shalt  }
0x61: {  	_ =	shalt  }
0x62: {  	_ =	shalt  }
0x63: {  	_ =	shalt  }
0x64: {  	_ =	shalt  }
0x65: {  	_ =	shalt  }
0x66: {  	_ =	shalt  }
0x67: {  	_ =	shalt  }
0x68: {  	_ =	shalt  }
0x69: {  	_ =	shalt  }
0x6a: {  	_ =	shalt  }
0x6b: {  	_ =	shalt  }
0x6c: {  	_ =	shalt  }
0x6d: {  	_ =	shalt  }
0x6e: {  	_ =	shalt  }
0x6f: {  	_ =	shalt  }
0x70: {  	_ =	shalt  }
0x71: {  	_ =	shalt  }
0x72: {  	_ =	shalt  }
0x73: {  	_ =	shalt  }
0x74: {  	_ =	shalt  }
0x75: {  	_ =	shalt  }
0x76: {  	_ =	shalt  }
0x77: {  	_ =	shalt  }
0x78: {  	_ =	shalt  }
0x79: {  	_ =	shalt  }
0x7a: {  	_ =	shalt  }
0x7b: {  	_ =	shalt  }
0x7c: {  	_ =	shalt  }
0x7d: {  	_ =	shalt  }
0x7e: {  	_ =	shalt  }
0x7f: {  	_ =	shalt  }
0x80: {  	_ =	shalt  }
0x81: {  	_ =	shalt  }
0x82: {  	_ =	shalt  }
0x83: {  	_ =	shalt  }
0x84: {  	_ =	shalt  }
0x85: {  	_ =	shalt  }
0x86: {  	_ =	shalt  }
0x87: {  	_ =	shalt  }
.Lfunc_end0:
.L_simem_size_0:
called_computation_lowered:
.L_overlay_start_0:
0x88: {  	s2 =	sld [smem:$0x3FD9]  }
0x89: {  	s3 =	sld [smem:$0x3FFE];
	_ =	sdelay $0x1  }
0x8a: {  	s1 =	srdreg.scid  }
0x8b: {  	s0 =	sand.u32 $0x1, s1  }
0x8c: {  	s16 =	sshll.u32 s0, $0xA;
	s2 =	sadd.s32 s3, s2  }
0x8d: {  	s2 =	sadd.s32 s2, s16  }
0x8e: {  	[smem:$0x3FBA] =	sst s2  }
0x8f: {  	_ = 	snop  }
0x90: {  	(tm) =	ssettm $0x1  }
0x91: {  	s17 =	sld [smem:$0x3FFB];
	_ =	sdelay $0x3  }
0x92: {  	_ =	strace s17  }
0x93: {  	s2 =	sld [smem:$0x3FFC];
	_ =	sdelay $0x3  }
0x94: {  	_ =	strace s2  }
0x95: {  	s2 =	sld [smem:$0x3FFD];
	_ =	sdelay $0x3  }
0x96: {  	_ =	strace s2  }
0x97: {  	_ =	strace $0x8FFFFFFF  }
0x98: {  	s18 =	sld [smem:$0x3FDB];
	_ =	sdelay $0x1  }
0x99: {  	s19 =	simm.s32 $_scs_section_size  }
0x9a: {  	s4 =	simm.s32 $_size__tile_overlayer_lowered;
	s5 =	simm.s32 $_tile_overlayer_lowered  }
0x9b: {  	s22 =	simm.s32 $0x1BFF;
	s21 =	sshll.u32 s5, $0x1;
	s2 =	sadd.s32 s19, s18  }
0x9c: {  	s6 =	simm.s32 $0x0;
	s20 =	sshll.u32 s4, $0x1;
	s4 =	sadd.s32 s21, s2  }
0x9d: {  	[timem:s6], [sflag:s22] =	dma.local [hbm:s4], s20  }
0x9e: {  	_ =	swait.ge [sflag:s22], s20  }
0x9f: {  	s3 =	ssub.s32 $0x0, s20;
	[sflag:s22] =	ssyncset.done $0x0  }
0xa0: {  	[sflag:s22] =	ssyncadd.s32 s3;
	_ =	sdelay $0x1  }
0xa1: {  	s23 =	simm.s32 $0x1B8B  }
0xa2: {  	_ =	swait.ge [sflag:s23], $0x1  }
0xa3: {  	[sflag:s23] =	ssyncset.done $0x0  }
0xa4: {  	s25 =	simm.s32 $0x1B8E;
	s24 =	sld [smem:$0x3FFE];
	[sflag:s23] =	ssyncadd.s32 $0xFFFFFFFF  }
0xa5: {  	s26 =	simm.s32 $execute0_lowered;
	[smem:$0x3FD2] =	sst s25  }
0xa6: {  	s4 =	sshll.u32 s26, $0x1;
	_ =	strace $0x80000046;
	[dreg:$0x1] =	wrdreg $0xFFFFFFFF  }
0xa7: {  	s28 =	simm.s32 $_size_execute0_lowered;
	s2 =	sadd.s32 s2, s4;
	[dreg:$0x0] =	wrdreg $0x0  }
0xa8: {  	s4 =	sshll.u32 s28, $0x1;
	[dreg:$0x2] =	wrdreg s2  }
0xa9: {  	[dreg:$0x3] =	wrdreg s4  }
0xaa: {  	[dreg:$0x4] =	wrdreg $0xC0  }
0xab: {  	_ =	task [dreg:s6], $0x5FFFF  }
0xac: {  	[dreg:$0x1] =	wrdreg $0xFFFFFFFF  }
0xad: {  	[dreg:$0x0] =	wrdreg $0x60  }
0xae: {  	[dreg:$0x2] =	wrdreg s24  }
0xaf: {  	[dreg:$0x3] =	wrdreg $0x9  }
0xb0: {  	_ =	task.clear_ibuf [dreg:s6], $0x4FFFF;
	_ =	strace $0x90000046  }
0xb1: {  	s29 =	simm.s32 $0x9;
	_ =	strace $0x80000048  }
0xb2: {  	_ =	swait.ge [sflag:s29], $0x1  }
0xb3: {  	[sflag:s29] =	ssyncadd.s32 $0xFFFFFFFF  }
0xb4: {  	_ =	strace $0x90000048  }
0xb5: {  	_ =	sfence  }
0xb6: {  	s30 =	sld [smem:$0x0];
	_ =	sdelay $0x2  }
0xb7: {  	s31 =	sshll.u32 s1, $0xD;
	s1 =	sshrl.u32 s1, $0x2  }
0xb8: {  	s3 =	sand.u32 $0x4000, s31;
	s1 =	sadd.s32 s1, s30  }
0xb9: {  	s0 =	sor.u32 s3, s0;
	s1 =	sshll.u32 s1, $0x11  }
0xba: {  	s0 =	sor.u32 s1, s0  }
0xbb: {  	s0 =	sadd.s32 $0x8F2B, s0  }
0xbc: {  	[sflag:s0] =	ssyncadd.remote.s32 $0x1  }
0xbd: {  	_ =	sfence.sel $0xFFFF  }
0xbe: {  	[dreg:$0x0] =	wrdreg $0xFFFFFFFF;
	(pc) =	sbr.abs _section_cstart, $3  }
0xbf: {  	[dreg:$0x1] =	wrdreg $0xFFFFFFFF  }
0xc0: {  	_ =	task.clear_ibuf [dreg:s6], $0x2FFFF;
	_ =	strace $0x9FFFFFFF  }
0xc1: {  	(tm) =	ssettm $0x7FFFFFFF  }
tec
execute0_lowered:
.L_overlay_start_1:
0x0: {  	(tag) =	ssettag $0x1  }
0x1: {  	s4 =	rddreg [dreg:$0x0];
	s1 =	simm.s32 $0x0  }
0x2: {  	[smem:$0x7FF] =	sst s1  }
0x3: {  	s0 =	rddreg [dreg:$0x1];
	v0 =	vimm.f32 $3.000000010e+38;
	_ =	strace $0x80000047  }
0x4: {  	(xrf0) =	vmin.scan.msk.f32 $0xffff, v0  }
0x5: {  	s2 =	srdreg.scid;
	s9 =	simm.s32 $0x1;
	s10 =	simm.s32 $0x10000  }
0x6: {  	s11 =	simm.s32 $0x10400;
	s12 =	simm.s32 $0x10880;
	s13 =	simm.s32 $0x2  }
.Ltmp0:
0x7: {  	s14 =	simm.s32 $0x0;
	s5 =	sand.u32 $0x1, s2;
	(pc) =	sbr.rel .LBB2_1-.Ltmp0, $4  }
0x8: {  	s3 =	sadd.s32 $0x1A00, s4;
	s2 =	stileid.u32;
	s6 =	ssub.s32 $0x2, s5  }
0x9: {  	s8 =	sshll.u32 s2, $0x6;
	s5 =	sshll.u32 s5, $0x5;
	s7 =	sshrl.u32 s6, $0x1;
	v0 =	vlaneseq.u32  }
0xa: {  	v2 =	vimm.s32 $0x0;
	v6 =	vimm.f32 $0.0e+00;
	s4 =	sadd.s32 $0x801A00, s4;
	s5 =	sor.u32 s5, s8;
	s6 =	ssub.s32 s6, s7;
	v3 =	vadd.s32 $0x1, v0;
	v1, _, _ =	vpop (xrf0)  }
0xb: {  	s8 =	simm.s32 $0x400;
	s7 =	simm.s32 $0x80;
	v4 =	vadd.s32 $0x11, v0;
	v5 =	vor.u32 $0x10, v0;
	s6 =	smax.u32 s6, $0x1;
	v1 =	vbroadcast v1, $0xF  }
.LBB2_88:
0xc: {  	s14 =	sadd.s32 $0x1, s14  }
0xd: {  	p0 =	sne.s32 s14, s6  }
.Ltmp1:
0xe: {  	_ = 	snop;
	(pc) =	sbr.rel @!p0 .LBB2_89-.Ltmp1, $1  }
0xf: {  	_ =	sdelay $0x3  }
.LBB2_1:
.Ltmp2:
0x10: {  	(pc) =	sbr.rel .LBB2_2-.Ltmp2, $2  }
0x11: {  	_ =	sdelay $0x2  }
0x12: {  	s15 =	simm.s32 $0x0  }
.LBB2_87:
0x13: {  	s16 =	sshll.u32 s16, $0xA  }
0x14: {  	s15 =	sadd.s32 $0x1, s15;
	s16 =	sor.u32 s17, s16  }
0x15: {  	[tilespmem:$0x10880] =	vst v8;
	p0 =	sne.s32 s15, $0x20;
	s16 =	sshrl.u32 s16, $0x3  }
.Ltmp3:
0x16: {  	[tilespmem:$0x10890] =	vst v7;
	s16 =	sadd.s32 s4, s16;
	(pc) =	sbr.rel @!p0 .LBB2_88-.Ltmp3, $4  }
0x17: {  	[hbm4b:s16+s1] =	stream.linear.scatter [tilespmem:s12], [sflag:$0x2], $0x80, $0x38;
	[tilespmem:$0x10900] =	vst v63  }
0x18: {  	_ =	swait.ge [sflag:s13], $0x80  }
0x19: {  	[sflag:s13] =	ssyncset.done $0x0  }
0x1a: {  	[sflag:s13] =	ssyncadd.s32 $0xFFFFFF80  }
.LBB2_2:
0x1b: {  	s16 =	sadd.s32 s5, s15  }
0x1c: {  	s17 =	sshll.u32 s15, $0x7;
	s16 =	sshrl.u32 s16, $0x3  }
0x1d: {  	s17 =	sand.u32 $0x380, s17;
	s18 =	sshll.u32 s16, $0x13  }
0x1e: {  	s18 =	sor.u32 s17, s18  }
0x1f: {  	s18 =	sshrl.u32 s18, $0x3  }
0x20: {  	s19 =	simm.s32 $0x0;
	s18 =	sadd.s32 s3, s18  }
0x21: {  	[tilespmem:s19], [sflag:$0x1] =	stream.strided.gather [hbm4b:s18+s7], $0x10000, s8, s7, $0x38;
	[tilespmem:$0x10900] =	vst v63  }
0x22: {  	_ =	swait.ge [sflag:s9], $0x10000  }
0x23: {  	[sflag:s9] =	ssyncset.done $0x0  }
0x24: {  	[sflag:s9] =	ssyncadd.s32 $0xFFFF0000  }
0x25: {  	v7 =	vld [tilespmem:s19+$0x70]  }
0x26: {  	v9 =	vld [tilespmem:s19+$0x60]  }
0x27: {  	v8 =	vld [tilespmem:s19+$0x50]  }
0x28: {  	v10 =	vld [tilespmem:s19+$0x40]  }
0x29: {  	v11 =	vld [tilespmem:s19+$0x30]  }
0x2a: {  	v16 =	vld [tilespmem:s19+$0x20]  }
0x2b: {  	v15 =	vld [tilespmem:s19+$0x10]  }
0x2c: {  	v13 =	vld [tilespmem:s19+$0x0]  }
0x2d: {  	v17 =	vld [tilespmem:s19+$0x8000]  }
0x2e: {  	v18 =	vld [tilespmem:s19+$0x8010]  }
0x2f: {  	v19 =	vld [tilespmem:s19+$0x8020]  }
0x30: {  	v14 =	vld [tilespmem:s19+$0x8030]  }
0x31: {  	v20 =	vimm.f32 $3.000000010e+38;
	v12 =	vld [tilespmem:s19+$0x8040]  }
0x32: {  	v21 =	vmin.f32 v20, v13;
	v17 =	vmin.f32 v20, v17;
	v13 =	vld [tilespmem:s19+$0x8050]  }
0x33: {  	v20 =	vmin.f32 v21, v15;
	v18 =	vmin.f32 v17, v18;
	v15 =	vld [tilespmem:s19+$0x8060]  }
0x34: {  	s18 =	simm.s32 $0x0;
	v17 =	vmin.f32 v20, v16;
	v18 =	vmin.f32 v18, v19;
	v16 =	vld [tilespmem:s19+$0x8070];
	s19 =	simm.s32 $0x80  }
.LBB2_3:
0x35: {  	v19 =	vld [tilespmem:s19+$0x70];
	v11 =	vmin.f32 v17, v11;
	v14 =	vmin.f32 v18, v14  }
0x36: {  	v17 =	vld [tilespmem:s19+$0x60];
	v10 =	vmin.f32 v11, v10;
	v11 =	vmin.f32 v14, v12  }
0x37: {  	v12 =	vmin.f32 v10, v8;
	v8 =	vld [tilespmem:s19+$0x50];
	v11 =	vmin.f32 v11, v13  }
0x38: {  	v10 =	vld [tilespmem:s19+$0x40];
	v9 =	vmin.f32 v12, v9;
	v12 =	vmin.f32 v11, v15  }
0x39: {  	v11 =	vld [tilespmem:s19+$0x30];
	v13 =	vmin.f32 v9, v7;
	v15 =	vmin.f32 v12, v16  }
0x3a: {  	v16 =	vld [tilespmem:s19+$0x20];
	v7 =	vmov v19  }
0x3b: {  	v18 =	vld [tilespmem:s19+$0x10];
	v9 =	vmov v17  }
0x3c: {  	v17 =	vld [tilespmem:s19+$0x0]  }
0x3d: {  	s18 =	sadd.s32 $0x8, s18;
	v19 =	vld [tilespmem:s19+$0x8000]  }
0x3e: {  	p0 =	slt.u32 s18, $0x7F8;
	v20 =	vld [tilespmem:s19+$0x8010]  }
0x3f: {  	v21 =	vld [tilespmem:s19+$0x8020]  }
.Ltmp4:
0x40: {  	v14 =	vld [tilespmem:s19+$0x8030];
	(pc) =	sbr.rel @p0 .LBB2_3-.Ltmp4, $4  }
0x41: {  	v12 =	vld [tilespmem:s19+$0x8040]  }
0x42: {  	v17 =	vmin.f32 v13, v17;
	v15 =	vmin.f32 v15, v19;
	v13 =	vld [tilespmem:s19+$0x8050]  }
0x43: {  	v17 =	vmin.f32 v17, v18;
	v18 =	vmin.f32 v15, v20;
	v15 =	vld [tilespmem:s19+$0x8060]  }
0x44: {  	v17 =	vmin.f32 v17, v16;
	v18 =	vmin.f32 v18, v21;
	v16 =	vld [tilespmem:s19+$0x8070];
	s19 =	sadd.s32 $0x80, s19  }
0x45: {  	v11 =	vmin.f32 v17, v11  }
0x46: {  	v14 =	vmin.f32 v18, v14;
	v10 =	vmin.f32 v11, v10  }
0x47: {  	v11 =	vmin.f32 v14, v12;
	v8 =	vmin.f32 v10, v8  }
0x48: {  	v10 =	vmin.f32 v11, v13;
	v8 =	vmin.f32 v8, v9  }
0x49: {  	v9 =	vmin.f32 v10, v15;
	v7 =	vmin.f32 v8, v7  }
0x4a: {  	v8 =	vmin.f32 v9, v16;
	(xrf0) =	vmax.scan.msk.f32 $0xffff, v7  }
0x4b: {  	(xrf0) =	vmax.scan.msk.f32 $0xffff, v8;
	_ =	sdelay $0x4  }
0x4c: {  	v7, _, _ =	vpop (xrf0)  }
0x4d: {  	(v2sf) =	vpush v7, $0xF;
	v7, _, _ =	vpop (xrf0)  }
0x4e: {  	(v2sf) =	vpush v7, $0xF;
	_ =	sdelay $0x4  }
0x4f: {  	s18 =	simm.s32 $0x80  }
0x50: {  	v27 =	vld [tilespmem:s18+$0xFFFFFF80]  }
0x51: {  	v12 =	vld [tilespmem:s18+$0xFFFFFFC0]  }
0x52: {  	v14 =	vld [tilespmem:s18+$0xFFFFFFD0]  }
0x53: {  	v17 =	vld [tilespmem:s18+$0xFFFFFFF0]  }
0x54: {  	v19 =	vld [tilespmem:s18+$0x0]  }
0x55: {  	v21 =	vld [tilespmem:s18+$0x10]  }
0x56: {  	v10 =	vld [tilespmem:s18+$0xFFFFFFA0]  }
0x57: {  	v8 =	vld [tilespmem:s18+$0xFFFFFF90]  }
0x58: {  	v11 =	vld [tilespmem:s18+$0xFFFFFFB0];
	v9 =	vimm.s32 $0x0;
	s19 =	spop (v2sf)  }
0x59: {  	v15 =	vld [tilespmem:s18+$0xFFFFFFE0];
	v13 =	vshll.u32 v9, $0x4;
	s20 =	spop (v2sf)  }
0x5a: {  	v16 =	vld [tilespmem:s18+$0x30];
	v13 =	vor.u32 v0, v13;
	s19 =	smax.f32 s19, s20  }
0x5b: {  	v18 =	vld [tilespmem:s18+$0x40];
	v32 =	vand.u32 $0x3FF, v13;
	v7 =	vmov s19  }
0x5c: {  	v20 =	vld [tilespmem:s18+$0x50];
	vm0 =	vle.f32 v27, v7;
	vm5 =	vle.f32 v8, v7;
	vm7 =	vle.f32 v10, v7  }
0x5d: {  	v24 =	vld [tilespmem:s18+$0x60];
	vm9 =	vle.f32 v11, v7;
	vm2 =	vle.f32 v12, v7;
	vm3 =	vle.f32 v14, v7  }
0x5e: {  	v26 =	vld [tilespmem:s18+$0x70];
	vm6 =	vle.f32 v15, v7;
	vm15 =	vle.f32 v17, v7;
	vm1 =	vle.f32 v19, v7  }
0x5f: {  	vm4 =	vle.f32 v21, v7;
	vm10 =	vle.f32 v16, v7;
	v13 =	vsel vm0, $0x1, v2  }
0x60: {  	vm11 =	vle.f32 v18, v7;
	v22 =	vadd.s32 v13, v9;
	v9 =	vsel vm5, $0x1, v2  }
0x61: {  	vm12 =	vle.f32 v20, v7;
	v23 =	vadd.s32 v9, v22;
	v9 =	vsel vm7, $0x1, v2  }
0x62: {  	vm13 =	vle.f32 v24, v7;
	v25 =	vadd.s32 v9, v23;
	v9 =	vsel vm9, $0x1, v2  }
0x63: {  	vm14 =	vle.f32 v26, v7;
	v13 =	vld [tilespmem:s18+$0x20];
	v34 =	vadd.s32 v9, v25;
	v9 =	vsel vm2, $0x1, v2  }
0x64: {  	v30 =	vsel vm12, $0x1, v2;
	v39 =	vadd.s32 v9, v34;
	v9 =	vsel vm3, $0x1, v2  }
0x65: {  	v37 =	vsel vm13, $0x1, v2;
	v40 =	vadd.s32 v9, v39;
	v9 =	vsel vm6, $0x1, v2  }
0x66: {  	v41 =	vsel vm14, $0x1, v2;
	v28 =	vadd.s32 v9, v40;
	v9 =	vsel vm15, $0x1, v2  }
0x67: {  	[tilespmem:v32+s10+$0x0] =	vst.idx.msk vm0, v27;
	v27 =	vshll.u32 v34, $0x4;
	v33 =	vadd.s32 v9, v28;
	v9 =	vsel vm1, $0x1, v2  }
0x68: {  	vm8 =	vle.f32 v13, v7;
	v36 =	vadd.s32 v9, v33;
	v9 =	vsel vm4, $0x1, v2  }
0x69: {  	v32 =	vshll.u32 v39, $0x4;
	v29 =	vadd.s32 v9, v36;
	v9 =	vsel vm8, $0x1, v2  }
0x6a: {  	v34 =	vshll.u32 v40, $0x4;
	v35 =	vadd.s32 v9, v29;
	v9 =	vsel vm10, $0x1, v2  }
0x6b: {  	v28 =	vshll.u32 v28, $0x4;
	v38 =	vadd.s32 v9, v35;
	v9 =	vsel vm11, $0x1, v2  }
0x6c: {  	v33 =	vshll.u32 v33, $0x4;
	v36 =	vshll.u32 v36, $0x4;
	v9 =	vadd.s32 v9, v38  }
0x6d: {  	v29 =	vshll.u32 v29, $0x4;
	v35 =	vshll.u32 v35, $0x4;
	v31 =	vadd.s32 v30, v9  }
0x6e: {  	v38 =	vshll.u32 v38, $0x4;
	v30 =	vshll.u32 v31, $0x4;
	v37 =	vadd.s32 v37, v31  }
0x6f: {  	s19 =	simm.s32 $0x0;
	v31 =	vshll.u32 v9, $0x4;
	v9 =	vadd.s32 v41, v37;
	v37 =	vshll.u32 v37, $0x4  }
.LBB2_5:
0x70: {  	v30 =	vor.u32 v0, v30  }
0x71: {  	v30 =	vand.u32 $0x3FF, v30;
	_ =	sdelay $0x4  }
0x72: {  	v27 =	vor.u32 v0, v27;
	[tilespmem:v30+s10+$0x0] =	vst.idx.msk vm13, v24;
	vm13 =	vmmov vm2  }
0x73: {  	vm0 =	vmmov vm5;
	v39 =	vimm.s32 $0x0;
	v27 =	vand.u32 $0x3FF, v27  }
0x74: {  	v59 =	vimm.s32 $0x0;
	v39 =	vsel vm0, $0xFFFFFFFF, v39;
	vm0 =	vmmov vm7  }
0x75: {  	v60 =	vimm.s32 $0x0;
	[tilespmem:$0x1FFF0] =	vst v39;
	v39 =	vsel vm0, $0xFFFFFFFF, v59;
	vm0 =	vmmov vm9  }
0x76: {  	s18 =	sadd.s32 $0x100, s18;
	[tilespmem:$0x1FFE0] =	vst v39;
	v39 =	vsel vm0, $0xFFFFFFFF, v60  }
0x77: {  	v32 =	vor.u32 v0, v32;
	v45 =	vld [tilespmem:s18+$0xFFFFFFC0];
	vm0 =	vmmov vm3;
	[tilespmem:$0x1FFD0] =	vst v39  }
0x78: {  	v32 =	vand.u32 $0x3FF, v32;
	[tilespmem:v27+s10+$0x0] =	vst.idx.msk vm13, v12;
	v12 =	vld [tilespmem:$0x1FFD0]  }
0x79: {  	v37 =	vor.u32 v0, v37;
	v40 =	vld [tilespmem:s18+$0xFFFFFF80]  }
0x7a: {  	v22 =	vshll.u32 v22, $0x4;
	v31 =	vor.u32 v0, v31;
	v37 =	vand.u32 $0x3FF, v37;
	v41 =	vld [tilespmem:s18+$0xFFFFFF90]  }
0x7b: {  	v23 =	vshll.u32 v23, $0x4;
	v29 =	vor.u32 v0, v29;
	v31 =	vand.u32 $0x3FF, v31;
	v42 =	vld [tilespmem:s18+$0xFFFFFFA0]  }
0x7c: {  	v25 =	vshll.u32 v25, $0x4;
	v35 =	vor.u32 v0, v35;
	v29 =	vand.u32 $0x3FF, v29;
	v43 =	vld [tilespmem:s18+$0xFFFFFFB0]  }
0x7d: {  	v25 =	vor.u32 v0, v25;
	v35 =	vand.u32 $0x3FF, v35;
	v48 =	vld [tilespmem:s18+$0xFFFFFFD0];
	[tilespmem:v32+s10+$0x0] =	vst.idx.msk vm0, v14;
	vm0 =	vnez.u8 v12  }
0x7e: {  	v38 =	vor.u32 v0, v38;
	v33 =	vor.u32 v0, v33;
	v49 =	vld [tilespmem:s18+$0xFFFFFFE0];
	v44 =	vand.u32 $0x3FF, v25  }
0x7f: {  	v36 =	vor.u32 v0, v36;
	v34 =	vor.u32 v0, v34;
	v38 =	vand.u32 $0x3FF, v38;
	v50 =	vld [tilespmem:s18+$0xFFFFFFF0];
	[tilespmem:v37+s10+$0x0] =	vst.idx.msk vm14, v26  }
0x80: {  	v61 =	vshll.u32 v9, $0x4;
	v28 =	vor.u32 v0, v28;
	v23 =	vor.u32 v0, v23;
	v51 =	vld [tilespmem:s18+$0x0];
	[tilespmem:v31+s10+$0x0] =	vst.idx.msk vm12, v20  }
0x81: {  	v22 =	vor.u32 v0, v22;
	v36 =	vand.u32 $0x3FF, v36;
	v34 =	vand.u32 $0x3FF, v34;
	v52 =	vld [tilespmem:s18+$0x10];
	[tilespmem:v29+s10+$0x0] =	vst.idx.msk vm8, v13  }
0x82: {  	v28 =	vand.u32 $0x3FF, v28;
	v33 =	vand.u32 $0x3FF, v33;
	v39 =	vor.u32 v0, v61;
	[tilespmem:v35+s10+$0x0] =	vst.idx.msk vm10, v16;
	v13 =	vld [tilespmem:s18+$0x20]  }
0x83: {  	v46 =	vand.u32 $0x3FF, v22;
	v47 =	vand.u32 $0x3FF, v23;
	v39 =	vand.u32 $0x3FF, v39;
	[tilespmem:v44+s10+$0x0] =	vst.idx.msk vm0, v11;
	v11 =	vld [tilespmem:$0x1FFE0]  }
0x84: {  	vm14 =	vle.f32 v40, v7;
	vm5 =	vle.f32 v41, v7;
	vm12 =	vmmov vm6;
	[tilespmem:v38+s10+$0x0] =	vst.idx.msk vm11, v18;
	v16 =	vld [tilespmem:s18+$0x30]  }
0x85: {  	vm7 =	vle.f32 v42, v7;
	vm9 =	vle.f32 v43, v7;
	vm2 =	vle.f32 v45, v7;
	v18 =	vld [tilespmem:s18+$0x40]  }
0x86: {  	vm3 =	vle.f32 v48, v7;
	vm6 =	vle.f32 v49, v7;
	v22 =	vsel vm14, $0x1, v2;
	v20 =	vld [tilespmem:s18+$0x50]  }
0x87: {  	[tilespmem:v28+s10+$0x0] =	vst.idx.msk vm15, v17;
	vm15 =	vle.f32 v50, v7;
	v24 =	vld [tilespmem:s18+$0x60];
	v22 =	vadd.s32 v22, v9;
	v9 =	vsel vm5, $0x1, v2  }
0x88: {  	v26 =	vld [tilespmem:s18+$0x70];
	v23 =	vadd.s32 v9, v22;
	v9 =	vsel vm7, $0x1, v2;
	vm0 =	vnez.u8 v11  }
0x89: {  	[tilespmem:v33+s10+$0x0] =	vst.idx.msk vm1, v19;
	vm1 =	vle.f32 v51, v7;
	v25 =	vadd.s32 v9, v23;
	v9 =	vsel vm9, $0x1, v2  }
0x8a: {  	[tilespmem:v36+s10+$0x0] =	vst.idx.msk vm4, v21;
	vm4 =	vle.f32 v52, v7;
	v53 =	vadd.s32 v9, v25;
	v9 =	vsel vm2, $0x1, v2  }
0x8b: {  	v54 =	vadd.s32 v9, v53;
	[tilespmem:v34+s10+$0x0] =	vst.idx.msk vm12, v15;
	vm8 =	vle.f32 v13, v7  }
0x8c: {  	vm10 =	vle.f32 v16, v7;
	vm11 =	vle.f32 v18, v7;
	vm12 =	vle.f32 v20, v7  }
0x8d: {  	v9 =	vsel vm3, $0x1, v2;
	[tilespmem:v39+s10+$0x0] =	vst.idx.msk vm14, v40;
	vm13 =	vle.f32 v24, v7;
	vm14 =	vle.f32 v26, v7  }
0x8e: {  	v55 =	vadd.s32 v9, v54;
	v9 =	vsel vm6, $0x1, v2;
	v14 =	vsel vm12, $0x1, v2;
	[tilespmem:v47+s10+$0x0] =	vst.idx.msk vm0, v10;
	v10 =	vld [tilespmem:$0x1FFF0]  }
0x8f: {  	v29 =	vsel vm13, $0x1, v2;
	v21 =	vadd.s32 v9, v55;
	v9 =	vsel vm15, $0x1, v2  }
0x90: {  	v32 =	vshll.u32 v54, $0x4;
	v62 =	vadd.s32 v9, v21;
	v9 =	vsel vm1, $0x1, v2  }
0x91: {  	v34 =	vshll.u32 v55, $0x4;
	v63 =	vadd.s32 v9, v62;
	v9 =	vsel vm4, $0x1, v2  }
0x92: {  	v33 =	vshll.u32 v62, $0x4;
	v17 =	vadd.s32 v9, v63;
	v9 =	vsel vm8, $0x1, v2  }
0x93: {  	s19 =	sadd.s32 $0x10, s19;
	v19 =	vadd.s32 v9, v17;
	v9 =	vsel vm10, $0x1, v2;
	vm0 =	vnez.u8 v10  }
0x94: {  	p0 =	slt.u32 s19, $0xFF0;
	v36 =	vshll.u32 v63, $0x4;
	v27 =	vadd.s32 v9, v19;
	v9 =	vsel vm11, $0x1, v2  }
.Ltmp5:
0x95: {  	v35 =	vshll.u32 v19, $0x4;
	v9 =	vadd.s32 v9, v27;
	v38 =	vshll.u32 v27, $0x4;
	(pc) =	sbr.rel @p0 .LBB2_5-.Ltmp5, $4  }
0x96: {  	v15 =	vmovc v49;
	v27 =	vshll.u32 v53, $0x4;
	v28 =	vadd.s32 v14, v9;
	v31 =	vshll.u32 v9, $0x4  }
0x97: {  	v12 =	vmovc v45;
	v14 =	vmovc v48;
	v30 =	vshll.u32 v28, $0x4;
	v28 =	vadd.s32 v29, v28;
	v29 =	vsel vm14, $0x1, v2  }
0x98: {  	v19 =	vmovc v51;
	v37 =	vshll.u32 v28, $0x4;
	v9 =	vadd.s32 v29, v28;
	v29 =	vshll.u32 v17, $0x4;
	v17 =	vmovc v50  }
0x99: {  	v28 =	vshll.u32 v21, $0x4;
	v21 =	vmovc v52;
	v11 =	vmovc v43;
	v10 =	vmov v42;
	[tilespmem:v46+s10+$0x0] =	vst.idx.msk vm0, v8;
	v8 =	vmov v41  }
0x9a: {  	v39 =	vxor.u32 $0x80000000, v9  }
0x9b: {  	(xrf0) =	vmax.scan.msk.u32 $0xffff, v39;
	_ =	sdelay $0x5  }
0x9c: {  	v39, _, _ =	vpop (xrf0)  }
0x9d: {  	(v2sf) =	vpush v39, $0xF;
	_ =	sdelay $0x1  }
0x9e: {  	v37 =	vor.u32 v0, v37  }
0x9f: {  	v30 =	vor.u32 v0, v30;
	v37 =	vand.u32 $0x3FF, v37  }
0xa0: {  	v31 =	vor.u32 v0, v31;
	v30 =	vand.u32 $0x3FF, v30  }
0xa1: {  	v38 =	vor.u32 v0, v38;
	v31 =	vand.u32 $0x3FF, v31  }
0xa2: {  	v35 =	vor.u32 v0, v35;
	v38 =	vand.u32 $0x3FF, v38  }
0xa3: {  	v29 =	vor.u32 v0, v29;
	v35 =	vand.u32 $0x3FF, v35  }
0xa4: {  	v36 =	vor.u32 v0, v36;
	v29 =	vand.u32 $0x3FF, v29;
	[tilespmem:v37+s10+$0x0] =	vst.idx.msk vm14, v26  }
0xa5: {  	v22 =	vshll.u32 v22, $0x4;
	v56 =	vor.u32 v0, v28;
	v54 =	vand.u32 $0x3FF, v36;
	[tilespmem:v30+s10+$0x0] =	vst.idx.msk vm13, v24  }
0xa6: {  	v55 =	vshll.u32 v25, $0x4;
	v25 =	vand.u32 $0x3FF, v56;
	v62 =	vor.u32 v0, v22;
	[tilespmem:v31+s10+$0x0] =	vst.idx.msk vm12, v20  }
0xa7: {  	v53 =	vor.u32 v0, v33;
	v63 =	vand.u32 $0x3FF, v62;
	[tilespmem:v38+s10+$0x0] =	vst.idx.msk vm11, v18  }
0xa8: {  	v57 =	vor.u32 v0, v34;
	vm0 =	vmmov vm6;
	v26 =	vand.u32 $0x3FF, v53;
	[tilespmem:v35+s10+$0x0] =	vst.idx.msk vm10, v16  }
0xa9: {  	v58 =	vor.u32 v0, v32;
	vm3 =	vmmov vm3;
	v20 =	vand.u32 $0x3FF, v57;
	[tilespmem:v29+s10+$0x0] =	vst.idx.msk vm8, v13  }
0xaa: {  	v59 =	vor.u32 v0, v27;
	vm2 =	vmmov vm2;
	v18 =	vand.u32 $0x3FF, v58;
	[tilespmem:v54+s10+$0x0] =	vst.idx.msk vm4, v21  }
0xab: {  	v23 =	vshll.u32 v23, $0x4;
	v60 =	vor.u32 v0, v55;
	v16 =	vand.u32 $0x3FF, v59;
	[tilespmem:v25+s10+$0x0] =	vst.idx.msk vm15, v17;
	s18 =	spop (v2sf)  }
0xac: {  	v61 =	vor.u32 v0, v23;
	v13 =	vand.u32 $0x3FF, v60;
	[tilespmem:v63+s10+$0x0] =	vst.idx.msk vm5, v8;
	s21 =	sxor.u32 $0x80000000, s18  }
0xad: {  	v21 =	vand.u32 $0x3FF, v61;
	[tilespmem:v26+s10+$0x0] =	vst.idx.msk vm1, v19;
	p0 =	sgt.s32 s21, $0x40  }
.Ltmp6:
0xae: {  	[tilespmem:v20+s10+$0x0] =	vst.idx.msk vm0, v15;
	(pc) =	sbr.rel @p0 .LBB2_43-.Ltmp6, $4  }
0xaf: {  	[tilespmem:v18+s10+$0x0] =	vst.idx.msk vm3, v14  }
0xb0: {  	[tilespmem:v16+s10+$0x0] =	vst.idx.msk vm2, v12  }
0xb1: {  	[tilespmem:v13+s10+$0x0] =	vst.idx.msk vm9, v11  }
0xb2: {  	s19 =	simm.s32 $0x0;
	vm12 =	vmmov vm9;
	vm13 =	vmmov vm7;
	vm14 =	vmmov vm5;
	[tilespmem:v21+s10+$0x0] =	vst.idx.msk vm7, v10;
	s18 =	simm.s32 $0x0  }
0xb3: {  	p0 =	slt.s32 s21, $0x1  }
.Ltmp7:
0xb4: {  	_ = 	snop;
	(pc) =	sbr.rel @p0 .LBB2_23-.Ltmp7, $2  }
0xb5: {  	_ =	sdelay $0x2  }
0xb6: {  	s18 =	simm.s32 $0x0;
	s19 =	simm.s32 $0x10000  }
0xb7: {  	p5 =	sne.s32 s21, $0x1  }
.Ltmp8:
0xb8: {  	_ = 	snop;
	(pc) =	sbr.rel @!p5 .LBB2_9-.Ltmp8, $4  }
0xb9: {  	_ = 	snop  }
0xba: {  	vm0 =	vgt.s32 v9, s18  }
0xbb: {  	s20 =	simm.s32 $0x1;
	p0 =	por $0x0, $0x0;
	p1 =	por $0x0, $0x0;
	v7 =	vsel vm0, $0x1, v2  }
0xbc: {  	p2 =	por $0x0, $0x0;
	p3 =	por $0x0, $0x0;
	p4 =	por $0x0, $0x0;
	(xrf0) =	vadd.scan.msk.s32 $0xffff, v7  }
0xbd: {  	_ =	sdelay $0x1  }
0xbe: {  	p5 =	sne.s32 s21, $0x2  }
.Ltmp9:
0xbf: {  	_ = 	snop;
	(pc) =	sbr.rel @!p5 .LBB2_11-.Ltmp9, $4  }
0xc0: {  	vm1 =	vmmov vm0;
	vm0 =	vgt.s32 v9, s20  }
0xc1: {  	v8 =	vsel vm0, $0x1, v2;
	v7, _, _ =	vpop (xrf0)  }
0xc2: {  	(xrf0) =	vadd.scan.msk.s32 $0xffff, v8;
	v8 =	vxor.u32 $0x80000000, v7  }
0xc3: {  	s20 =	simm.s32 $0x2;
	p0 =	por $0x1, $0x1;
	(xrf0) =	vmax.scan.msk.u32 $0xffff, v8  }
0xc4: {  	_ = 	snop  }
0xc5: {  	p5 =	sne.s32 s21, $0x3  }
.Ltmp10:
0xc6: {  	_ = 	snop;
	(pc) =	sbr.rel @!p5 .LBB2_13-.Ltmp10, $4  }
0xc7: {  	vm2 =	vmmov vm1;
	vm1 =	vmmov vm0;
	vm0 =	vgt.s32 v9, s20  }
0xc8: {  	v8 =	vsel vm0, $0x1, v2;
	v11, _, _ =	vpop (xrf0)  }
0xc9: {  	(xrf0) =	vadd.scan.msk.s32 $0xffff, v8;
	v8 =	vxor.u32 $0x80000000, v11  }
0xca: {  	s20 =	simm.s32 $0x3;
	p1 =	por $0x1, $0x1;
	v12, _, _ =	vpop (xrf0);
	(xrf0) =	vmax.scan.msk.u32 $0xffff, v8  }
0xcb: {  	_ = 	snop  }
0xcc: {  	p5 =	sne.s32 s21, $0x4  }
.Ltmp11:
0xcd: {  	vm3 =	vmmov vm2;
	(pc) =	sbr.rel @!p5 .LBB2_15-.Ltmp11, $4  }
0xce: {  	vm2 =	vmmov vm1;
	vm1 =	vmmov vm0;
	vm0 =	vgt.s32 v9, s20  }
0xcf: {  	v8 =	vsel vm0, $0x1, v2;
	v10, _, _ =	vpop (xrf0)  }
0xd0: {  	(xrf0) =	vadd.scan.msk.s32 $0xffff, v8;
	v8 =	vxor.u32 $0x80000000, v10  }
0xd1: {  	(v2sf) =	vpush v12, $0xF;
	s20 =	simm.s32 $0x4;
	p2 =	por $0x1, $0x1;
	v12, _, _ =	vpop (xrf0);
	(xrf0) =	vmax.scan.msk.u32 $0xffff, v8  }
0xd2: {  	(v2sf) =	vpush v12, $0xF;
	_ =	sdelay $0x4  }
0xd3: {  	vm4 =	vmmov vm1;
	vm1 =	vmmov vm0;
	vm0 =	vgt.s32 v9, s20;
	p5 =	sne.s32 s21, $0x5  }
.Ltmp12:
0xd4: {  	v13 =	vsel vm0, $0x1, v2;
	v8, _, _ =	vpop (xrf0);
	(pc) =	sbr.rel @!p5 .LBB2_17-.Ltmp12, $2  }
0xd5: {  	(xrf0) =	vadd.scan.msk.s32 $0xffff, v13;
	v13 =	vxor.u32 $0x80000000, v8;
	_ =	sdelay $0x2  }
0xd6: {  	s20 =	simm.s32 $0x5;
	vm7 =	vmmov vm3;
	vm5 =	vmmov vm2;
	p3 =	por $0x1, $0x1;
	(xrf0) =	vmax.scan.msk.u32 $0xffff, v13;
	v13, _, _ =	vpop (xrf0)  }
0xd7: {  	(v2sf) =	vpush v13, $0xF;
	_ =	sdelay $0x1  }
0xd8: {  	vm2 =	vmmov vm1  }
0xd9: {  	vm1 =	vmmov vm0;
	vm0 =	vgt.s32 v9, s20;
	s22 =	simm.s32 $0xFFFFFFFF;
	vm6 =	vmmov vm7;
	p5 =	sne.s32 s21, $0x6  }
.Ltmp13:
0xda: {  	v14 =	vld [tilespmem:s19+$0x0];
	v12 =	vsel vm0, $0x1, v2;
	v15 =	vadd.s32 s22, v7;
	v18, _, _ =	vpop (xrf0);
	(pc) =	sbr.rel @!p5 .LBB2_19-.Ltmp13, $4  }
0xdb: {  	(xrf0) =	vadd.scan.msk.s32 $0xffff, v12;
	v12 =	vxor.u32 $0x80000000, v18  }
0xdc: {  	s31 =	spop (v2sf)  }
0xdd: {  	s23 =	simm.s32 $0x6;
	vm9 =	vmmov vm5;
	s20 =	sadd.s32 $0x0, s31  }
0xde: {  	vm8 =	vmmov vm4;
	p4 =	por $0x1, $0x1;
	v17 =	vmov v11;
	v16 =	vmov v10;
	s22 =	simm.s32 $0x10000;
	(xrf0) =	vmax.scan.msk.u32 $0xffff, v12;
	s20 =	sadd.s32 $0x80000000, s20;
	v12, _, _ =	vpop (xrf0)  }
.LBB2_20:
0xdf: {  	(v2sf) =	vpush v12, $0xF;
	[tilespmem:v15+s11+$0x0] =	vst.idx.msk vm6, v14;
	vm6 =	vmmov vm9;
	vm9 =	vmmov vm8;
	s25 =	smov.u32 s23;
	s23 =	sadd.s32 $0x1, s23  }
0xe0: {  	s24 =	sadd.s32 $0xFFFFFFFF, s20;
	s22 =	sadd.s32 $0x10, s22;
	vm8 =	vmmov vm2;
	vm2 =	vmmov vm1;
	vm1 =	vmmov vm0;
	p5 =	sne.s32 s21, s23  }
.Ltmp14:
0xe1: {  	vm0 =	vgt.s32 v9, s25;
	v14 =	vld [tilespmem:s22+$0x0];
	v15 =	vadd.s32 s24, v17;
	v17 =	vmovc v16;
	v16 =	vmovc v8;
	v8 =	vmov v18;
	(pc) =	sbr.rel @p5 .LBB2_20-.Ltmp14, $4  }
0xe2: {  	v12 =	vsel vm0, $0x1, v2  }
0xe3: {  	(xrf0) =	vadd.scan.msk.s32 $0xffff, v12;
	v18, _, _ =	vpop (xrf0);
	s24 =	spop (v2sf)  }
0xe4: {  	v19 =	vxor.u32 $0x80000000, v18;
	s20 =	sadd.s32 s24, s20  }
0xe5: {  	(xrf0) =	vmax.scan.msk.u32 $0xffff, v19;
	v12, _, _ =	vpop (xrf0);
	s20 =	sadd.s32 $0x80000000, s20  }
0xe6: {  	v9 =	vmov v8;
	v8 =	vmov v18  }
.LBB2_22:
0xe7: {  	_ =	sdelay $0x3  }
0xe8: {  	s21 =	sadd.s32 @p4 $0x10, s22;
	s22 =	simm.s32 $0x10000  }
0xe9: {  	s23 =	sadd.s32 @p3 $0xFFFFFFFF, s20;
	[tilespmem:v15+s11+$0x0] =	vst.idx.msk @p4 vm6, v14;
	vm6 =	vmmov @p3 vm9;
	s22 =	smov.u32 @p4 s21  }
0xea: {  	v15 =	vadd.s32 @p3 s23, v17;
	vm6 =	vmmov @p3 vm6;
	v14 =	vld @p3 [tilespmem:s22+$0x0]  }
0xeb: {  	(v2sf) =	vpush @p1 v12, $0xF;
	v12 =	vpsel p3, v15, v0  }
0xec: {  	s21 =	spop @p3 (v2sf)  }
0xed: {  	s20 =	sadd.s32 @p3 s21, s20  }
0xee: {  	vm8 =	vmmov @p2 vm8;
	s21 =	simm.s32 $0x0;
	s20 =	sadd.s32 @p3 $0x80000000, s20  }
0xef: {  	vm7 =	vmmov @p2 vm8;
	v61, _, _ =	vpop (xrf0);
	v15 =	vmov @p2 v16;
	s21 =	smov.u32 @p3 s20;
	s20 =	sadd.s32 @p3 $0x10, s22;
	s22 =	simm.s32 $0x10000;
	v14 =	vpsel p3, v14, v0  }
0xf0: {  	v17, _, _ =	vpop @p0 (xrf0);
	v15 =	vpsel p2, v15, v7;
	s23 =	sadd.s32 @p2 $0xFFFFFFFF, s21;
	s22 =	smov.u32 @p3 s20;
	[tilespmem:v12+s11+$0x0] =	vst.idx.msk @p3 vm6, v14;
	vm6 =	vmmov @p2 vm7  }
0xf1: {  	v12 =	vpsel p0, v17, v13;
	v14 =	vadd.s32 @p2 s23, v15;
	v13 =	vld @p2 [tilespmem:s22+$0x0];
	vm6 =	vmmov @p2 vm6  }
0xf2: {  	v62 =	vxor.u32 $0x80000000, v61;
	(v2sf) =	vpush @p0 v12, $0xF;
	v12 =	vpsel p2, v14, v0  }
0xf3: {  	vm2 =	vmmov @p1 vm2;
	(xrf0) =	vmax.scan.msk.u32 $0xffff, v62;
	s20 =	spop @p2 (v2sf)  }
0xf4: {  	vm5 =	vmmov @p1 vm2;
	s20 =	sadd.s32 @p2 s20, s21  }
0xf5: {  	vm2 =	vmmov @p1 vm5;
	s21 =	simm.s32 $0x0;
	s20 =	sadd.s32 @p2 $0x80000000, s20  }
0xf6: {  	v9 =	vpsel p1, v9, v11;
	vm2 =	vmmov @p1 vm2;
	s21 =	smov.u32 @p2 s20;
	s20 =	sadd.s32 @p2 $0x10, s22;
	s22 =	simm.s32 $0x10000;
	v11 =	vpsel p2, v13, v0  }
0xf7: {  	v9 =	vpsel p1, v9, v0;
	vm2 =	vmmov @p1 vm2;
	s23 =	sadd.s32 @p1 $0xFFFFFFFF, s21;
	s22 =	smov.u32 @p2 s20;
	[tilespmem:v12+s11+$0x0] =	vst.idx.msk @p2 vm6, v11  }
0xf8: {  	vm1 =	vmmov @p0 vm1;
	vm2 =	vmmov @p1 vm2;
	v9 =	vadd.s32 @p1 s23, v9;
	v11 =	vld @p1 [tilespmem:s22+$0x0]  }
0xf9: {  	vm4 =	vmmov @p0 vm1;
	v63, _, _ =	vpop (xrf0);
	v9 =	vpsel p1, v9, v0  }
0xfa: {  	vm1 =	vmmov @p0 vm4;
	(v2sf) =	vpush v63, $0xF;
	s20 =	spop @p1 (v2sf)  }
0xfb: {  	vm3 =	vmmov @p0 vm1;
	s20 =	sadd.s32 @p1 s20, s21  }
0xfc: {  	v8 =	vpsel p0, v8, v10;
	vm1 =	vmmov @p0 vm3;
	s21 =	simm.s32 $0x0;
	s20 =	sadd.s32 @p1 $0x80000000, s20  }
0xfd: {  	v7 =	vpsel p0, v8, v7;
	vm1 =	vmmov @p0 vm1;
	s21 =	smov.u32 @p1 s20;
	s20 =	sadd.s32 @p1 $0x10, s22;
	s22 =	simm.s32 $0x10000;
	v8 =	vpsel p1, v11, v0  }
0xfe: {  	v7 =	vpsel p0, v7, v0;
	vm1 =	vmmov @p0 vm1;
	s23 =	sadd.s32 @p0 $0xFFFFFFFF, s21;
	s22 =	smov.u32 @p1 s20;
	[tilespmem:v9+s11+$0x0] =	vst.idx.msk @p1 vm2, v8  }
0xff: {  	vm1 =	vmmov @p0 vm1;
	v7 =	vadd.s32 @p0 s23, v7;
	v8 =	vld @p0 [tilespmem:s22+$0x0]  }
0x100: {  	v7 =	vpsel p0, v7, v0  }
0x101: {  	vm0 =	vmmov vm0;
	s20 =	spop @p0 (v2sf)  }
0x102: {  	vm0 =	vmmov vm0;
	s20 =	sadd.s32 @p0 s20, s21  }
0x103: {  	vm0 =	vmmov vm0;
	s20 =	sadd.s32 @p0 $0x80000000, s20  }
0x104: {  	vm0 =	vmmov vm0;
	s18 =	smov.u32 @p0 s20;
	s20 =	sadd.s32 @p0 $0x10, s22;
	v8 =	vpsel p0, v8, v0  }
0x105: {  	vm0 =	vmmov vm0;
	s30 =	sadd.s32 $0xFFFFFFFF, s18;
	s19 =	smov.u32 @p0 s20;
	[tilespmem:v7+s11+$0x0] =	vst.idx.msk @p0 vm1, v8  }
0x106: {  	v8 =	vadd.s32 s30, v61;
	v7 =	vld [tilespmem:s19+$0x0];
	_ =	sdelay $0x2  }
0x107: {  	s31 =	spop (v2sf)  }
0x108: {  	s18 =	sadd.s32 s31, s18  }
0x109: {  	s18 =	sadd.s32 $0x80000000, s18;
	[tilespmem:v8+s11+$0x0] =	vst.idx.msk vm0, v7  }
.LBB2_23:
0x10a: {  	s19 =	sadd.s32 $0xF, s18  }
0x10b: {  	s20 =	sand.u32 $0xF, s19  }
0x10c: {  	s31 =	sshra.s32 s19, $0x1F;
	p1 =	slt.s32 s19, $0x1;
	p0 =	sne.s32 s20, $0x0  }
.Ltmp15:
0x10d: {  	s20 =	sshrl.u32 s31, $0x1C;
	p0 =	por !p1, !p0;
	(pc) =	sbr.rel .LBB2_24-.Ltmp15, $4  }
0x10e: {  	s19 =	sadd.s32 s20, s19;
	s20 =	simm.s32 $0x1;
	p0 =	por !p0, !p0  }
0x10f: {  	s19 =	sshra.s32 s19, $0x4;
	s20 =	simm.s32 @!p0 $0x0  }
0x110: {  	s19 =	ssub.s32 s19, s20  }
0x111: {  	v9 =	vmov s18;
	s18 =	simm.s32 $0x1E;
	v7 =	vimm.f32 $0.0e+00;
	v8 =	vimm.f32 $0.0e+00;
	p0 =	slt.s32 s19, $0x1  }
.LBB2_65:
0x112: {  	[tilespmem:$0x10400] =	vst v10  }
0x113: {  	[tilespmem:$0x10410] =	vst v8  }
.LBB2_66:
0x114: {  	s19 =	sadd.s32 $0x1, s19  }
0x115: {  	p0 =	sne.s32 s19, $0x400  }
.Ltmp16:
0x116: {  	_ = 	snop;
	(pc) =	sbr.rel @!p0 .LBB2_67-.Ltmp16, $1  }
0x117: {  	_ =	sdelay $0x3  }
.LBB2_43:
0x118: {  	s20 =	sshll.u32 s19, $0x6  }
0x119: {  	s20 =	sand.u32 $0x3FFFFFC0, s20  }
0x11a: {  	v8 =	vld [tilespmem:s20+$0x0]  }
0x11b: {  	v9 =	vld [tilespmem:s20+$0x10]  }
0x11c: {  	v10 =	vld [tilespmem:s20+$0x20]  }
0x11d: {  	v11 =	vld [tilespmem:s20+$0x30];
	_ =	sdelay $0x4  }
0x11e: {  	v9 =	vmin.f32 v8, v9;
	v10 =	vmin.f32 v10, v11  }
0x11f: {  	v9 =	vmin.f32 v9, v10  }
0x120: {  	vm0 =	vle.f32 v9, v7  }
0x121: {  	v9 =	vsel vm0, $0x3F800000, v6  }
0x122: {  	(xrf0) =	vmax.scan.msk.f32 $0xffff, v9;
	_ =	sdelay $0x5  }
0x123: {  	v9, _, _ =	vpop (xrf0)  }
0x124: {  	(v2sf) =	vpush v9, $0xF;
	_ =	sdelay $0xe  }
0x125: {  	s21 =	spop (v2sf)  }
0x126: {  	p0 =	sgt.f32 s21, $0.0e+00;
	_ =	sdelay $0x1  }
0x127: {  	vm0 =	vle.f32 @p0 v8, v7;
	v9 =	vimm.s32 @p0 $0x0  }
0x128: {  	v10 =	vsel @p0 vm0, $0x1, v9  }
0x129: {  	(xrf0) =	vadd.scan.msk.s32 @p0 $0xffff, v10;
	_ =	sdelay $0x5  }
0x12a: {  	s21 =	sadd.s32 @p0 $0xFFFFFFFF, s18;
	v10, _, _ =	vpop @p0 (xrf0)  }
0x12b: {  	v11 =	vadd.s32 @p0 s21, v10;
	v10 =	vxor.u32 @p0 $0x80000000, v10  }
0x12c: {  	(xrf0) =	vmax.scan.msk.u32 @p0 $0xffff, v10;
	_ =	sdelay $0x2  }
0x12d: {  	s22 =	simm.s32 @p0 $0x10400  }
0x12e: {  	[tilespmem:v11+s22+$0x0] =	vst.idx.msk @p0 vm0, v8  }
0x12f: {  	v8 =	vld @p0 [tilespmem:s20+$0x10]  }
0x130: {  	v10, _, _ =	vpop @p0 (xrf0)  }
0x131: {  	(v2sf) =	vpush @p0 v10, $0xF;
	_ =	sdelay $0x2  }
0x132: {  	vm0 =	vle.f32 @p0 v8, v7  }
0x133: {  	v10 =	vsel @p0 vm0, $0x1, v9  }
0x134: {  	(xrf0) =	vadd.scan.msk.s32 @p0 $0xffff, v10;
	_ =	sdelay $0x5  }
0x135: {  	v10, _, _ =	vpop @p0 (xrf0)  }
0x136: {  	v11 =	vxor.u32 @p0 $0x80000000, v10  }
0x137: {  	(xrf0) =	vmax.scan.msk.u32 @p0 $0xffff, v11;
	_ =	sdelay $0x1  }
0x138: {  	s21 =	spop @p0 (v2sf)  }
0x139: {  	s21 =	sadd.s32 @p0 s21, s18  }
0x13a: {  	s23 =	sadd.s32 @p0 $0x7FFFFFFF, s21  }
0x13b: {  	v10 =	vadd.s32 @p0 s23, v10  }
0x13c: {  	v11, _, _ =	vpop @p0 (xrf0)  }
0x13d: {  	(v2sf) =	vpush @p0 v11, $0xF;
	_ =	sdelay $0x2  }
0x13e: {  	[tilespmem:v10+s22+$0x0] =	vst.idx.msk @p0 vm0, v8  }
0x13f: {  	v8 =	vld @p0 [tilespmem:s20+$0x20];
	_ =	sdelay $0x4  }
0x140: {  	vm0 =	vle.f32 @p0 v8, v7  }
0x141: {  	v10 =	vsel @p0 vm0, $0x1, v9  }
0x142: {  	(xrf0) =	vadd.scan.msk.s32 @p0 $0xffff, v10;
	_ =	sdelay $0x3  }
0x143: {  	s23 =	spop @p0 (v2sf)  }
0x144: {  	s21 =	sadd.s32 @p0 s23, s21  }
0x145: {  	v10, _, _ =	vpop @p0 (xrf0);
	s23 =	sadd.s32 @p0 $0xFFFFFFFF, s21  }
0x146: {  	v11 =	vadd.s32 @p0 s23, v10;
	_ =	sdelay $0x4  }
0x147: {  	[tilespmem:v11+s22+$0x0] =	vst.idx.msk @p0 vm0, v8  }
0x148: {  	v8 =	vld @p0 [tilespmem:s20+$0x30];
	_ =	sdelay $0x4  }
0x149: {  	v10 =	vxor.u32 @p0 $0x80000000, v10;
	vm0 =	vle.f32 @p0 v8, v7  }
0x14a: {  	(xrf0) =	vmax.scan.msk.u32 @p0 $0xffff, v10;
	v9 =	vsel @p0 vm0, $0x1, v9  }
0x14b: {  	(xrf0) =	vadd.scan.msk.s32 @p0 $0xffff, v9;
	_ =	sdelay $0x4  }
0x14c: {  	v9, _, _ =	vpop @p0 (xrf0)  }
0x14d: {  	v10, _, _ =	vpop @p0 (xrf0)  }
0x14e: {  	v11 =	vxor.u32 @p0 $0x80000000, v10  }
0x14f: {  	(xrf0) =	vmax.scan.msk.u32 @p0 $0xffff, v11;
	_ =	sdelay $0x3  }
0x150: {  	(v2sf) =	vpush @p0 v9, $0xF;
	_ =	sdelay $0x1  }
0x151: {  	v9, _, _ =	vpop @p0 (xrf0)  }
0x152: {  	(v2sf) =	vpush @p0 v9, $0xF;
	_ =	sdelay $0xb  }
0x153: {  	s21 =	sadd.s32 @p0 $0x80000000, s21;
	s20 =	spop @p0 (v2sf)  }
0x154: {  	s20 =	sadd.s32 @p0 s20, s21  }
0x155: {  	s21 =	sadd.s32 @p0 $0xFFFFFFFF, s20  }
0x156: {  	s20 =	sadd.s32 @p0 $0x80000000, s20;
	v9 =	vadd.s32 @p0 s21, v10;
	s21 =	spop @p0 (v2sf)  }
0x157: {  	s21 =	sadd.s32 @p0 s21, s20  }
0x158: {  	p1 =	slt.s32 @p0 s21, $0xE0  }
0x159: {  	p1 =	por !p0, p1  }
.Ltmp17:
0x15a: {  	_ = 	snop;
	(pc) =	sbr.rel @p1 .LBB2_44-.Ltmp17, $2  }
0x15b: {  	_ =	sdelay $0x2  }
0x15c: {  	[tilespmem:v9+s22+$0x0] =	vst.idx.msk @p0 vm0, v8  }
0x15d: {  	s18 =	sadd.s32 $0xF, s21  }
0x15e: {  	s20 =	sand.u32 $0xF, s18  }
0x15f: {  	s22 =	sshra.s32 s18, $0x1F;
	p1 =	slt.s32 s18, $0x0;
	p2 =	sne.s32 s20, $0x0  }
.Ltmp18:
0x160: {  	s30 =	sshrl.u32 s22, $0x1C;
	p1 =	por !p1, !p2;
	(pc) =	sbr.rel .LBB2_46-.Ltmp18, $4  }
0x161: {  	s20 =	simm.s32 $0x1;
	s18 =	sadd.s32 s30, s18;
	p1 =	por !p1, !p1  }
0x162: {  	s31 =	sshra.s32 s18, $0x4;
	s20 =	simm.s32 @!p1 $0x0;
	p1 =	sgt.s32 @p0 s21, $0xDF  }
0x163: {  	s18 =	smov.u32 s21;
	p0 =	por !p1, !p0;
	s20 =	ssub.s32 s31, s20  }
0x164: {  	v9 =	vmov s21;
	v8 =	vimm.f32 $0.0e+00;
	v10 =	vimm.f32 $0.0e+00;
	s21 =	simm.s32 $0x1E;
	s18 =	simm.s32 @!p0 $0x1E;
	p0 =	slt.s32 s20, $0x1  }
.LBB2_47:
0x165: {  	_ = 	snop  }
0x166: {  	v11 =	vmov v1  }
.LBB2_64:
0x167: {  	s22 =	ssub.s32 $0x1E, s21;
	s21 =	ssub.s32 s21, s23  }
0x168: {  	p1 =	sgt.s32 s21, $0x0  }
.Ltmp19:
0x169: {  	v12 =	vmov s22;
	s22 =	sadd.s32 s22, s23;
	(pc) =	sbr.rel @!p1 .LBB2_65-.Ltmp19, $4  }
0x16a: {  	vm0 =	vlt.s32 v12, v3;
	v13 =	vmov s22  }
0x16b: {  	vm2 =	vlt.s32 v12, v4;
	vm1 =	vgt.s32 v13, v0;
	vm3 =	vgt.s32 v13, v5  }
0x16c: {  	vm0 =	vmand vm0, vm1;
	vm15 =	vmand vm2, vm3  }
0x16d: {  	v10 =	vsel vm0, v11, v10;
	v8 =	vsel vm15, v11, v8  }
.LBB2_46:
.Ltmp20:
0x16e: {  	(pc) =	sbr.rel @p0 .LBB2_47-.Ltmp20, $2  }
0x16f: {  	_ =	sdelay $0x2  }
0x170: {  	s23 =	simm.s32 $0x0  }
0x171: {  	s22 =	simm.s32 $0x10400  }
0x172: {  	p6 =	sne.s32 s20, $0x1;
	v12 =	vld [tilespmem:s22+$0x0]  }
.Ltmp21:
0x173: {  	_ = 	snop;
	(pc) =	sbr.rel @!p6 .LBB2_50-.Ltmp21, $4  }
0x174: {  	_ = 	snop  }
0x175: {  	v11 =	vor.u32 s23, v0  }
0x176: {  	vm0 =	vlt.s32 v11, v9  }
0x177: {  	s24 =	sadd.s32 $0xFFFFFFFF, s20;
	s25 =	simm.s32 $0x10410;
	v11 =	vimm.f32 $3.000000010e+38;
	v12 =	vnsel vm0, $0x7F61B1E6, v12  }
.LBB2_49:
0x178: {  	v13 =	vld [tilespmem:s25+$0x0];
	p1 =	sne.s32 s24, $0x1;
	s24 =	sadd.s32 $0xFFFFFFFF, s24;
	v11 =	vmin.f32 v11, v12  }
.Ltmp22:
0x179: {  	(pc) =	sbr.rel @p1 .LBB2_49-.Ltmp22, $4  }
0x17a: {  	s23 =	sadd.s32 $0x10, s23  }
0x17b: {  	v12 =	vor.u32 s23, v0  }
0x17c: {  	vm0 =	vlt.s32 v12, v9  }
0x17d: {  	s25 =	sadd.s32 $0x10, s25;
	v12 =	vnsel vm0, $0x7F61B1E6, v13  }
.LBB2_50:
0x17e: {  	v11 =	vmin.f32 v11, v12  }
0x17f: {  	(xrf0) =	vmin.scan.msk.f32 $0xffff, v11;
	_ =	sdelay $0x2  }
.Ltmp23:
0x180: {  	_ = 	snop;
	(pc) =	sbr.rel @!p6 .LBB2_51-.Ltmp23, $4  }
0x181: {  	_ = 	snop  }
0x182: {  	s23 =	simm.s32 $0x0  }
0x183: {  	s24 =	sadd.s32 $0xFFFFFFFF, s20;
	p1 =	por $0x0, $0x0;
	p2 =	por $0x0, $0x0;
	v11, _, _ =	vpop (xrf0)  }
0x184: {  	p3 =	por $0x0, $0x0;
	p4 =	por $0x0, $0x0;
	p5 =	por $0x0, $0x0;
	v11 =	vbroadcast v11, $0xF  }
0x185: {  	p6 =	sne.s32 s24, $0x1  }
.Ltmp24:
0x186: {  	_ = 	snop;
	(pc) =	sbr.rel @!p6 .LBB2_53-.Ltmp24, $2  }
0x187: {  	_ =	sdelay $0x2  }
0x188: {  	s24 =	sadd.s32 $0xFFFFFFFF, s24;
	p1 =	por $0x1, $0x1  }
0x189: {  	p6 =	sne.s32 s24, $0x1  }
.Ltmp25:
0x18a: {  	_ = 	snop;
	(pc) =	sbr.rel @!p6 .LBB2_55-.Ltmp25, $2  }
0x18b: {  	_ =	sdelay $0x2  }
0x18c: {  	s24 =	sadd.s32 $0xFFFFFFFF, s24;
	p2 =	por $0x1, $0x1  }
0x18d: {  	p6 =	sne.s32 s24, $0x1  }
.Ltmp26:
0x18e: {  	_ = 	snop;
	(pc) =	sbr.rel @!p6 .LBB2_57-.Ltmp26, $3  }
0x18f: {  	_ =	sdelay $0x1  }
0x190: {  	v13 =	vor.u32 s23, v0  }
0x191: {  	v12 =	vld [tilespmem:s22+$0x0];
	s24 =	sadd.s32 $0xFFFFFFFF, s24;
	p3 =	por $0x1, $0x1;
	vm0 =	vlt.s32 v13, v9  }
0x192: {  	_ =	sdelay $0x2  }
0x193: {  	p6 =	sne.s32 s24, $0x1  }
.Ltmp27:
0x194: {  	v13 =	vnsel vm0, $0x7F61B1E6, v12;
	(pc) =	sbr.rel @!p6 .LBB2_59-.Ltmp27, $4  }
0x195: {  	vm1 =	veq.f32 v13, v11  }
0x196: {  	s25 =	simm.s32 $0x10;
	v13 =	vsel vm1, $0x7F61B1E6, v13  }
0x197: {  	s26 =	simm.s32 $0x10410;
	v15 =	vor.u32 s25, v0;
	v14 =	vsel vm1, $0x1, v2;
	[tilespmem:s22+$0x0] =	vst v13  }
0x198: {  	s24 =	sadd.s32 $0xFFFFFFFF, s24;
	p4 =	por $0x1, $0x1;
	vm1 =	vlt.s32 v15, v9;
	(xrf0) =	vadd.scan.msk.s32 $0xffff, v14;
	v13 =	vld [tilespmem:s26+$0x0]  }
0x199: {  	_ =	sdelay $0x3  }
0x19a: {  	v14 =	vnsel vm1, $0x7F61B1E6, v13  }
0x19b: {  	vm2 =	veq.f32 v14, v11  }
0x19c: {  	v14 =	vsel vm2, $0x7F61B1E6, v14;
	_ =	sdelay $0x2  }
0x19d: {  	[tilespmem:s26+$0x0] =	vst v14;
	v14, _, _ =	vpop (xrf0)  }
0x19e: {  	(v2sf) =	vpush v14, $0xF  }
0x19f: {  	v15 =	vsel vm2, $0x1, v2  }
0x1a0: {  	p6 =	sne.s32 s24, $0x1;
	s26 =	simm.s32 $0x10420;
	(xrf0) =	vadd.scan.msk.s32 $0xffff, v15  }
.Ltmp28:
0x1a1: {  	v14 =	vld [tilespmem:s26+$0x0];
	(pc) =	sbr.rel @!p6 .LBB2_61-.Ltmp28, $4  }
0x1a2: {  	_ = 	snop  }
0x1a3: {  	s25 =	simm.s32 $0x20  }
0x1a4: {  	v16 =	vor.u32 s25, v0  }
0x1a5: {  	s28 =	sadd.s32 $0xFFFFFFFF, s24;
	p5 =	por $0x1, $0x1;
	s24 =	simm.s32 $0x0;
	vm2 =	vlt.s32 v16, v9  }
.LBB2_62:
0x1a6: {  	p6 =	sne.s32 s28, $0x1;
	v14 =	vnsel vm2, $0x7F61B1E6, v14;
	v15, _, _ =	vpop (xrf0)  }
0x1a7: {  	vm2 =	veq.f32 v14, v11;
	(v2sf) =	vpush v15, $0xF  }
0x1a8: {  	v14 =	vsel vm2, $0x7F61B1E6, v14;
	v15 =	vsel vm2, $0x1, v2  }
0x1a9: {  	[tilespmem:s26+$0x0] =	vst v14;
	s26 =	sadd.s32 $0x10, s26;
	(xrf0) =	vadd.scan.msk.s32 $0xffff, v15  }
.Ltmp29:
0x1aa: {  	v14 =	vld [tilespmem:s26+$0x0];
	(pc) =	sbr.rel @p6 .LBB2_62-.Ltmp29, $4  }
0x1ab: {  	_ = 	snop  }
0x1ac: {  	s25 =	sadd.s32 $0x10, s25  }
0x1ad: {  	v15 =	vor.u32 s25, v0;
	s29 =	spop (v2sf)  }
0x1ae: {  	s28 =	sadd.s32 $0xFFFFFFFF, s28;
	vm2 =	vlt.s32 v15, v9;
	s24 =	sadd.s32 s24, s29  }
.LBB2_63:
0x1af: {  	v14 =	vnsel @p3 vm2, $0x7F61B1E6, v14  }
0x1b0: {  	vm2 =	veq.f32 @p3 v14, v11  }
0x1b1: {  	s28 =	sadd.s32 @p3 $0x10, s26;
	s29 =	simm.s32 $0x10400;
	v14 =	vsel @p3 vm2, $0x7F61B1E6, v14  }
0x1b2: {  	s29 =	smov.u32 @p3 s28;
	[tilespmem:s26+$0x0] =	vst @p3 v14  }
0x1b3: {  	v14 =	vld @p2 [tilespmem:s29+$0x0]  }
0x1b4: {  	s25 =	sadd.s32 @p3 $0x10, s25;
	s26 =	simm.s32 $0x0  }
0x1b5: {  	s26 =	smov.u32 @p3 s25  }
0x1b6: {  	v15 =	vor.u32 @p2 s26, v0  }
0x1b7: {  	vm3 =	vlt.s32 @p2 v15, v9  }
0x1b8: {  	vm1 =	vmmov @p2 vm3;
	v13 =	vpsel p2, v14, v13  }
0x1b9: {  	v13 =	vnsel @p2 vm1, $0x7F61B1E6, v13  }
0x1ba: {  	vm1 =	veq.f32 @p2 v13, v11  }
0x1bb: {  	s28 =	simm.s32 $0x10400;
	s25 =	sadd.s32 @p2 $0x10, s29;
	v13 =	vsel @p2 vm1, $0x7F61B1E6, v13  }
0x1bc: {  	s28 =	smov.u32 @p2 s25;
	[tilespmem:s29+$0x0] =	vst @p2 v13  }
0x1bd: {  	v13 =	vld @p1 [tilespmem:s28+$0x0]  }
0x1be: {  	s25 =	sadd.s32 @p2 $0x10, s26;
	s26 =	simm.s32 $0x0  }
0x1bf: {  	s26 =	smov.u32 @p2 s25  }
0x1c0: {  	v14 =	vor.u32 @p1 s26, v0  }
0x1c1: {  	vm3 =	vlt.s32 @p1 v14, v9  }
0x1c2: {  	vm0 =	vmmov @p1 vm3;
	v12 =	vpsel p1, v13, v12  }
0x1c3: {  	v12 =	vnsel @p1 vm0, $0x7F61B1E6, v12  }
0x1c4: {  	vm0 =	veq.f32 @p1 v12, v11  }
0x1c5: {  	s25 =	sadd.s32 @p1 $0x10, s28;
	v12 =	vsel @p1 vm0, $0x7F61B1E6, v12  }
0x1c6: {  	s22 =	smov.u32 @p1 s25;
	[tilespmem:s28+$0x0] =	vst @p1 v12  }
0x1c7: {  	v12 =	vld [tilespmem:s22+$0x0]  }
0x1c8: {  	s25 =	sadd.s32 @p1 $0x10, s26;
	s26 =	simm.s32 $0x0;
	v13 =	vsel @p3 vm2, $0x1, v2  }
0x1c9: {  	s26 =	smov.u32 @p1 s25;
	(xrf0) =	vadd.scan.msk.s32 @p3 $0xffff, v13  }
0x1ca: {  	v61 =	vor.u32 s26, v0;
	v13 =	vsel @p2 vm1, $0x1, v2  }
0x1cb: {  	vm14 =	vlt.s32 v61, v9;
	(xrf0) =	vadd.scan.msk.s32 @p2 $0xffff, v13  }
0x1cc: {  	v13 =	vsel @p1 vm0, $0x1, v2;
	v12 =	vnsel vm14, $0x7F61B1E6, v12  }
0x1cd: {  	v14, _, _ =	vpop @p4 (xrf0);
	(xrf0) =	vadd.scan.msk.s32 @p1 $0xffff, v13;
	vm15 =	veq.f32 v12, v11  }
0x1ce: {  	(v2sf) =	vpush @p4 v14, $0xF;
	v62 =	vsel vm15, $0x1, v2  }
0x1cf: {  	v14, _, _ =	vpop @p3 (xrf0);
	(xrf0) =	vadd.scan.msk.s32 $0xffff, v62  }
0x1d0: {  	(v2sf) =	vpush @p3 v14, $0xF  }
0x1d1: {  	v13, _, _ =	vpop @p2 (xrf0)  }
0x1d2: {  	(v2sf) =	vpush @p2 v13, $0xF  }
0x1d3: {  	v13, _, _ =	vpop @p1 (xrf0)  }
0x1d4: {  	(v2sf) =	vpush @p1 v13, $0xF  }
0x1d5: {  	v63, _, _ =	vpop (xrf0)  }
0x1d6: {  	(v2sf) =	vpush v63, $0xF;
	_ =	sdelay $0x4  }
0x1d7: {  	s25 =	spop @p5 (v2sf)  }
0x1d8: {  	s24 =	sadd.s32 @p5 s24, s25;
	s25 =	simm.s32 $0x0  }
0x1d9: {  	s25 =	smov.u32 @p5 s24;
	s26 =	spop @p4 (v2sf)  }
0x1da: {  	s24 =	sadd.s32 @p4 s25, s26;
	s25 =	simm.s32 $0x0  }
0x1db: {  	s25 =	smov.u32 @p4 s24;
	s26 =	spop @p3 (v2sf)  }
0x1dc: {  	s24 =	sadd.s32 @p3 s25, s26;
	s25 =	simm.s32 $0x0  }
0x1dd: {  	s26 =	spop @p2 (v2sf);
	s25 =	smov.u32 @p3 s24  }
0x1de: {  	s24 =	sadd.s32 @p2 s25, s26;
	s25 =	simm.s32 $0x0  }
0x1df: {  	s25 =	smov.u32 @p2 s24;
	s24 =	spop @p1 (v2sf)  }
.Ltmp30:
0x1e0: {  	s24 =	sadd.s32 @p1 s25, s24;
	(pc) =	sbr.rel .LBB2_64-.Ltmp30, $4  }
0x1e1: {  	s23 =	smov.u32 @p1 s24;
	s31 =	spop (v2sf)  }
0x1e2: {  	s24 =	sadd.s32 s23, s31  }
0x1e3: {  	v12 =	vsel vm15, $0x7F61B1E6, v12;
	s23 =	smov.u32 s21;
	p1 =	slt.s32 s24, s21  }
0x1e4: {  	[tilespmem:s22+$0x0] =	vst v12;
	s23 =	smov.u32 @p1 s24  }
.LBB2_51:
.Ltmp31:
0x1e5: {  	(pc) =	sbr.rel .LBB2_63-.Ltmp31, $2  }
0x1e6: {  	_ =	sdelay $0x2  }
0x1e7: {  	s26 =	simm.s32 $0x10400;
	s25 =	simm.s32 $0x0;
	s24 =	simm.s32 $0x0  }
.LBB2_53:
.Ltmp32:
0x1e8: {  	(pc) =	sbr.rel .LBB2_63-.Ltmp32, $2  }
0x1e9: {  	_ =	sdelay $0x2  }
0x1ea: {  	s26 =	simm.s32 $0x10400;
	s25 =	simm.s32 $0x0;
	s24 =	simm.s32 $0x0  }
.LBB2_55:
.Ltmp33:
0x1eb: {  	(pc) =	sbr.rel .LBB2_63-.Ltmp33, $2  }
0x1ec: {  	_ =	sdelay $0x2  }
0x1ed: {  	s26 =	simm.s32 $0x10400;
	s25 =	simm.s32 $0x0;
	s24 =	simm.s32 $0x0  }
.LBB2_57:
.Ltmp34:
0x1ee: {  	_ = 	snop;
	(pc) =	sbr.rel .LBB2_63-.Ltmp34, $2  }
0x1ef: {  	_ =	sdelay $0x2  }
0x1f0: {  	vm2 =	vmmov vm0;
	s26 =	simm.s32 $0x10400;
	s25 =	simm.s32 $0x0;
	s24 =	simm.s32 $0x0;
	v14 =	vmov v12  }
.LBB2_59:
.Ltmp35:
0x1f1: {  	_ = 	snop;
	(pc) =	sbr.rel .LBB2_63-.Ltmp35, $2  }
0x1f2: {  	_ =	sdelay $0x2  }
0x1f3: {  	vm2 =	vmmov vm1;
	s24 =	simm.s32 $0x0;
	v14 =	vmov v13  }
.LBB2_61:
.Ltmp36:
0x1f4: {  	(pc) =	sbr.rel .LBB2_63-.Ltmp36, $2  }
0x1f5: {  	_ =	sdelay $0x2  }
0x1f6: {  	s24 =	simm.s32 $0x0  }
.LBB2_44:
.Ltmp37:
0x1f7: {  	(pc) =	sbr.rel .LBB2_66-.Ltmp37, $2  }
0x1f8: {  	_ =	sdelay $0x2  }
0x1f9: {  	s18 =	smov.u32 @p0 s21  }
.LBB2_25:
0x1fa: {  	_ = 	snop  }
0x1fb: {  	v10 =	vmov v1  }
.LBB2_42:
0x1fc: {  	s20 =	ssub.s32 $0x1E, s18;
	s18 =	ssub.s32 s18, s21  }
0x1fd: {  	p1 =	sgt.s32 s18, $0x0  }
.Ltmp38:
0x1fe: {  	v11 =	vmov s20;
	s20 =	sadd.s32 s20, s21;
	(pc) =	sbr.rel @!p1 .LBB2_87-.Ltmp38, $4  }
0x1ff: {  	vm0 =	vlt.s32 v11, v3;
	v12 =	vmov s20  }
0x200: {  	vm2 =	vlt.s32 v11, v4;
	vm1 =	vgt.s32 v12, v0;
	vm3 =	vgt.s32 v12, v5  }
0x201: {  	vm0 =	vmand vm0, vm1;
	vm15 =	vmand vm2, vm3  }
0x202: {  	v8 =	vsel vm0, v10, v8;
	v7 =	vsel vm15, v10, v7  }
.LBB2_24:
.Ltmp39:
0x203: {  	(pc) =	sbr.rel @p0 .LBB2_25-.Ltmp39, $2  }
0x204: {  	_ =	sdelay $0x2  }
0x205: {  	s21 =	simm.s32 $0x0  }
0x206: {  	s20 =	simm.s32 $0x10400  }
0x207: {  	p6 =	sne.s32 s19, $0x1;
	v11 =	vld [tilespmem:s20+$0x0]  }
.Ltmp40:
0x208: {  	_ = 	snop;
	(pc) =	sbr.rel @!p6 .LBB2_28-.Ltmp40, $4  }
0x209: {  	_ = 	snop  }
0x20a: {  	v10 =	vor.u32 s21, v0  }
0x20b: {  	vm0 =	vlt.s32 v10, v9  }
0x20c: {  	s22 =	sadd.s32 $0xFFFFFFFF, s19;
	s23 =	simm.s32 $0x10410;
	v10 =	vimm.f32 $3.000000010e+38;
	v11 =	vnsel vm0, $0x7F61B1E6, v11  }
.LBB2_27:
0x20d: {  	v12 =	vld [tilespmem:s23+$0x0];
	p1 =	sne.s32 s22, $0x1;
	s22 =	sadd.s32 $0xFFFFFFFF, s22;
	v10 =	vmin.f32 v10, v11  }
.Ltmp41:
0x20e: {  	(pc) =	sbr.rel @p1 .LBB2_27-.Ltmp41, $4  }
0x20f: {  	s21 =	sadd.s32 $0x10, s21  }
0x210: {  	v11 =	vor.u32 s21, v0  }
0x211: {  	vm0 =	vlt.s32 v11, v9  }
0x212: {  	s23 =	sadd.s32 $0x10, s23;
	v11 =	vnsel vm0, $0x7F61B1E6, v12  }
.LBB2_28:
0x213: {  	v10 =	vmin.f32 v10, v11  }
0x214: {  	(xrf0) =	vmin.scan.msk.f32 $0xffff, v10;
	_ =	sdelay $0x2  }
.Ltmp42:
0x215: {  	_ = 	snop;
	(pc) =	sbr.rel @!p6 .LBB2_29-.Ltmp42, $4  }
0x216: {  	_ = 	snop  }
0x217: {  	s21 =	simm.s32 $0x0  }
0x218: {  	s22 =	sadd.s32 $0xFFFFFFFF, s19;
	p1 =	por $0x0, $0x0;
	p2 =	por $0x0, $0x0;
	v10, _, _ =	vpop (xrf0)  }
0x219: {  	p3 =	por $0x0, $0x0;
	p4 =	por $0x0, $0x0;
	p5 =	por $0x0, $0x0;
	v10 =	vbroadcast v10, $0xF  }
0x21a: {  	p6 =	sne.s32 s22, $0x1  }
.Ltmp43:
0x21b: {  	_ = 	snop;
	(pc) =	sbr.rel @!p6 .LBB2_31-.Ltmp43, $2  }
0x21c: {  	_ =	sdelay $0x2  }
0x21d: {  	s22 =	sadd.s32 $0xFFFFFFFF, s22;
	p1 =	por $0x1, $0x1  }
0x21e: {  	p6 =	sne.s32 s22, $0x1  }
.Ltmp44:
0x21f: {  	_ = 	snop;
	(pc) =	sbr.rel @!p6 .LBB2_33-.Ltmp44, $2  }
0x220: {  	_ =	sdelay $0x2  }
0x221: {  	s22 =	sadd.s32 $0xFFFFFFFF, s22;
	p2 =	por $0x1, $0x1  }
0x222: {  	p6 =	sne.s32 s22, $0x1  }
.Ltmp45:
0x223: {  	_ = 	snop;
	(pc) =	sbr.rel @!p6 .LBB2_35-.Ltmp45, $3  }
0x224: {  	_ =	sdelay $0x1  }
0x225: {  	v12 =	vor.u32 s21, v0  }
0x226: {  	v11 =	vld [tilespmem:s20+$0x0];
	s22 =	sadd.s32 $0xFFFFFFFF, s22;
	p3 =	por $0x1, $0x1;
	vm0 =	vlt.s32 v12, v9  }
0x227: {  	_ =	sdelay $0x2  }
0x228: {  	p6 =	sne.s32 s22, $0x1  }
.Ltmp46:
0x229: {  	v12 =	vnsel vm0, $0x7F61B1E6, v11;
	(pc) =	sbr.rel @!p6 .LBB2_37-.Ltmp46, $4  }
0x22a: {  	vm1 =	veq.f32 v12, v10  }
0x22b: {  	s23 =	simm.s32 $0x10;
	v12 =	vsel vm1, $0x7F61B1E6, v12  }
0x22c: {  	s24 =	simm.s32 $0x10410;
	v14 =	vor.u32 s23, v0;
	v13 =	vsel vm1, $0x1, v2;
	[tilespmem:s20+$0x0] =	vst v12  }
0x22d: {  	s22 =	sadd.s32 $0xFFFFFFFF, s22;
	p4 =	por $0x1, $0x1;
	vm1 =	vlt.s32 v14, v9;
	(xrf0) =	vadd.scan.msk.s32 $0xffff, v13;
	v12 =	vld [tilespmem:s24+$0x0]  }
0x22e: {  	_ =	sdelay $0x3  }
0x22f: {  	v13 =	vnsel vm1, $0x7F61B1E6, v12  }
0x230: {  	vm2 =	veq.f32 v13, v10  }
0x231: {  	v13 =	vsel vm2, $0x7F61B1E6, v13;
	_ =	sdelay $0x2  }
0x232: {  	[tilespmem:s24+$0x0] =	vst v13;
	v13, _, _ =	vpop (xrf0)  }
0x233: {  	(v2sf) =	vpush v13, $0xF  }
0x234: {  	v14 =	vsel vm2, $0x1, v2  }
0x235: {  	p6 =	sne.s32 s22, $0x1;
	s24 =	simm.s32 $0x10420;
	(xrf0) =	vadd.scan.msk.s32 $0xffff, v14  }
.Ltmp47:
0x236: {  	v13 =	vld [tilespmem:s24+$0x0];
	(pc) =	sbr.rel @!p6 .LBB2_39-.Ltmp47, $4  }
0x237: {  	_ = 	snop  }
0x238: {  	s23 =	simm.s32 $0x20  }
0x239: {  	v15 =	vor.u32 s23, v0  }
0x23a: {  	s25 =	sadd.s32 $0xFFFFFFFF, s22;
	p5 =	por $0x1, $0x1;
	s22 =	simm.s32 $0x0;
	vm2 =	vlt.s32 v15, v9  }
.LBB2_40:
0x23b: {  	p6 =	sne.s32 s25, $0x1;
	v13 =	vnsel vm2, $0x7F61B1E6, v13;
	v14, _, _ =	vpop (xrf0)  }
0x23c: {  	vm2 =	veq.f32 v13, v10;
	(v2sf) =	vpush v14, $0xF  }
0x23d: {  	v13 =	vsel vm2, $0x7F61B1E6, v13;
	v14 =	vsel vm2, $0x1, v2  }
0x23e: {  	[tilespmem:s24+$0x0] =	vst v13;
	s24 =	sadd.s32 $0x10, s24;
	(xrf0) =	vadd.scan.msk.s32 $0xffff, v14  }
.Ltmp48:
0x23f: {  	v13 =	vld [tilespmem:s24+$0x0];
	(pc) =	sbr.rel @p6 .LBB2_40-.Ltmp48, $4  }
0x240: {  	_ = 	snop  }
0x241: {  	s23 =	sadd.s32 $0x10, s23  }
0x242: {  	v14 =	vor.u32 s23, v0;
	s26 =	spop (v2sf)  }
0x243: {  	s25 =	sadd.s32 $0xFFFFFFFF, s25;
	vm2 =	vlt.s32 v14, v9;
	s22 =	sadd.s32 s22, s26  }
.LBB2_41:
0x244: {  	v13 =	vnsel @p3 vm2, $0x7F61B1E6, v13  }
0x245: {  	vm2 =	veq.f32 @p3 v13, v10  }
0x246: {  	s25 =	sadd.s32 @p3 $0x10, s24;
	s26 =	simm.s32 $0x10400;
	v13 =	vsel @p3 vm2, $0x7F61B1E6, v13  }
0x247: {  	s26 =	smov.u32 @p3 s25;
	[tilespmem:s24+$0x0] =	vst @p3 v13  }
0x248: {  	v13 =	vld @p2 [tilespmem:s26+$0x0]  }
0x249: {  	s23 =	sadd.s32 @p3 $0x10, s23;
	s24 =	simm.s32 $0x0  }
0x24a: {  	s24 =	smov.u32 @p3 s23  }
0x24b: {  	v14 =	vor.u32 @p2 s24, v0  }
0x24c: {  	vm3 =	vlt.s32 @p2 v14, v9  }
0x24d: {  	vm1 =	vmmov @p2 vm3;
	v12 =	vpsel p2, v13, v12  }
0x24e: {  	v12 =	vnsel @p2 vm1, $0x7F61B1E6, v12  }
0x24f: {  	vm1 =	veq.f32 @p2 v12, v10  }
0x250: {  	s25 =	simm.s32 $0x10400;
	s23 =	sadd.s32 @p2 $0x10, s26;
	v12 =	vsel @p2 vm1, $0x7F61B1E6, v12  }
0x251: {  	s25 =	smov.u32 @p2 s23;
	[tilespmem:s26+$0x0] =	vst @p2 v12  }
0x252: {  	v12 =	vld @p1 [tilespmem:s25+$0x0]  }
0x253: {  	s23 =	sadd.s32 @p2 $0x10, s24;
	s24 =	simm.s32 $0x0  }
0x254: {  	s24 =	smov.u32 @p2 s23  }
0x255: {  	v13 =	vor.u32 @p1 s24, v0  }
0x256: {  	vm3 =	vlt.s32 @p1 v13, v9  }
0x257: {  	vm0 =	vmmov @p1 vm3;
	v11 =	vpsel p1, v12, v11  }
0x258: {  	v11 =	vnsel @p1 vm0, $0x7F61B1E6, v11  }
0x259: {  	vm0 =	veq.f32 @p1 v11, v10  }
0x25a: {  	s23 =	sadd.s32 @p1 $0x10, s25;
	v11 =	vsel @p1 vm0, $0x7F61B1E6, v11  }
0x25b: {  	s20 =	smov.u32 @p1 s23;
	[tilespmem:s25+$0x0] =	vst @p1 v11  }
0x25c: {  	v11 =	vld [tilespmem:s20+$0x0]  }
0x25d: {  	s23 =	sadd.s32 @p1 $0x10, s24;
	s24 =	simm.s32 $0x0;
	v12 =	vsel @p3 vm2, $0x1, v2  }
0x25e: {  	s24 =	smov.u32 @p1 s23;
	(xrf0) =	vadd.scan.msk.s32 @p3 $0xffff, v12  }
0x25f: {  	v61 =	vor.u32 s24, v0;
	v12 =	vsel @p2 vm1, $0x1, v2  }
0x260: {  	vm14 =	vlt.s32 v61, v9;
	(xrf0) =	vadd.scan.msk.s32 @p2 $0xffff, v12  }
0x261: {  	v12 =	vsel @p1 vm0, $0x1, v2;
	v11 =	vnsel vm14, $0x7F61B1E6, v11  }
0x262: {  	v13, _, _ =	vpop @p4 (xrf0);
	(xrf0) =	vadd.scan.msk.s32 @p1 $0xffff, v12;
	vm15 =	veq.f32 v11, v10  }
0x263: {  	(v2sf) =	vpush @p4 v13, $0xF;
	v62 =	vsel vm15, $0x1, v2  }
0x264: {  	v13, _, _ =	vpop @p3 (xrf0);
	(xrf0) =	vadd.scan.msk.s32 $0xffff, v62  }
0x265: {  	(v2sf) =	vpush @p3 v13, $0xF  }
0x266: {  	v12, _, _ =	vpop @p2 (xrf0)  }
0x267: {  	(v2sf) =	vpush @p2 v12, $0xF  }
0x268: {  	v12, _, _ =	vpop @p1 (xrf0)  }
0x269: {  	(v2sf) =	vpush @p1 v12, $0xF  }
0x26a: {  	v63, _, _ =	vpop (xrf0)  }
0x26b: {  	(v2sf) =	vpush v63, $0xF;
	_ =	sdelay $0x4  }
0x26c: {  	s23 =	spop @p5 (v2sf)  }
0x26d: {  	s22 =	sadd.s32 @p5 s22, s23;
	s23 =	simm.s32 $0x0  }
0x26e: {  	s23 =	smov.u32 @p5 s22;
	s24 =	spop @p4 (v2sf)  }
0x26f: {  	s22 =	sadd.s32 @p4 s23, s24;
	s23 =	simm.s32 $0x0  }
0x270: {  	s23 =	smov.u32 @p4 s22;
	s24 =	spop @p3 (v2sf)  }
0x271: {  	s22 =	sadd.s32 @p3 s23, s24;
	s23 =	simm.s32 $0x0  }
0x272: {  	s24 =	spop @p2 (v2sf);
	s23 =	smov.u32 @p3 s22  }
0x273: {  	s22 =	sadd.s32 @p2 s23, s24;
	s23 =	simm.s32 $0x0  }
0x274: {  	s23 =	smov.u32 @p2 s22;
	s22 =	spop @p1 (v2sf)  }
.Ltmp49:
0x275: {  	s22 =	sadd.s32 @p1 s23, s22;
	(pc) =	sbr.rel .LBB2_42-.Ltmp49, $4  }
0x276: {  	s21 =	smov.u32 @p1 s22;
	s31 =	spop (v2sf)  }
0x277: {  	s22 =	sadd.s32 s21, s31  }
0x278: {  	v11 =	vsel vm15, $0x7F61B1E6, v11;
	s21 =	smov.u32 s18;
	p1 =	slt.s32 s22, s18  }
0x279: {  	[tilespmem:s20+$0x0] =	vst v11;
	s21 =	smov.u32 @p1 s22  }
.LBB2_29:
.Ltmp50:
0x27a: {  	(pc) =	sbr.rel .LBB2_41-.Ltmp50, $2  }
0x27b: {  	_ =	sdelay $0x2  }
0x27c: {  	s24 =	simm.s32 $0x10400;
	s23 =	simm.s32 $0x0;
	s22 =	simm.s32 $0x0  }
.LBB2_31:
.Ltmp51:
0x27d: {  	(pc) =	sbr.rel .LBB2_41-.Ltmp51, $2  }
0x27e: {  	_ =	sdelay $0x2  }
0x27f: {  	s24 =	simm.s32 $0x10400;
	s23 =	simm.s32 $0x0;
	s22 =	simm.s32 $0x0  }
.LBB2_33:
.Ltmp52:
0x280: {  	(pc) =	sbr.rel .LBB2_41-.Ltmp52, $2  }
0x281: {  	_ =	sdelay $0x2  }
0x282: {  	s24 =	simm.s32 $0x10400;
	s23 =	simm.s32 $0x0;
	s22 =	simm.s32 $0x0  }
.LBB2_35:
.Ltmp53:
0x283: {  	_ = 	snop;
	(pc) =	sbr.rel .LBB2_41-.Ltmp53, $2  }
0x284: {  	_ =	sdelay $0x2  }
0x285: {  	vm2 =	vmmov vm0;
	s24 =	simm.s32 $0x10400;
	s23 =	simm.s32 $0x0;
	s22 =	simm.s32 $0x0;
	v13 =	vmov v11  }
.LBB2_37:
.Ltmp54:
0x286: {  	_ = 	snop;
	(pc) =	sbr.rel .LBB2_41-.Ltmp54, $2  }
0x287: {  	_ =	sdelay $0x2  }
0x288: {  	vm2 =	vmmov vm1;
	s22 =	simm.s32 $0x0;
	v13 =	vmov v12  }
.LBB2_39:
.Ltmp55:
0x289: {  	(pc) =	sbr.rel .LBB2_41-.Ltmp55, $2  }
0x28a: {  	_ =	sdelay $0x2  }
0x28b: {  	s22 =	simm.s32 $0x0  }
.LBB2_67:
0x28c: {  	s19 =	sadd.s32 $0xF, s18  }
0x28d: {  	s20 =	sand.u32 $0xF, s19  }
0x28e: {  	s31 =	sshra.s32 s19, $0x1F;
	p1 =	slt.s32 s19, $0x1;
	p0 =	sne.s32 s20, $0x0  }
.Ltmp56:
0x28f: {  	s20 =	sshrl.u32 s31, $0x1C;
	p0 =	por !p1, !p0;
	(pc) =	sbr.rel .LBB2_68-.Ltmp56, $4  }
0x290: {  	s19 =	sadd.s32 s20, s19;
	s20 =	simm.s32 $0x1;
	p0 =	por !p0, !p0  }
0x291: {  	s19 =	sshra.s32 s19, $0x4;
	s20 =	simm.s32 @!p0 $0x0  }
0x292: {  	s19 =	ssub.s32 s19, s20  }
0x293: {  	v9 =	vmov s18;
	s18 =	simm.s32 $0x1E;
	v7 =	vimm.f32 $0.0e+00;
	v8 =	vimm.f32 $0.0e+00;
	p0 =	slt.s32 s19, $0x1  }
.LBB2_69:
0x294: {  	_ = 	snop  }
0x295: {  	v10 =	vmov v1  }
.LBB2_86:
0x296: {  	s20 =	ssub.s32 $0x1E, s18;
	s18 =	ssub.s32 s18, s21  }
0x297: {  	p1 =	sgt.s32 s18, $0x0  }
.Ltmp57:
0x298: {  	v11 =	vmov s20;
	s20 =	sadd.s32 s20, s21;
	(pc) =	sbr.rel @!p1 .LBB2_87-.Ltmp57, $4  }
0x299: {  	vm0 =	vlt.s32 v11, v3;
	v12 =	vmov s20  }
0x29a: {  	vm2 =	vlt.s32 v11, v4;
	vm1 =	vgt.s32 v12, v0;
	vm3 =	vgt.s32 v12, v5  }
0x29b: {  	vm0 =	vmand vm0, vm1;
	vm15 =	vmand vm2, vm3  }
0x29c: {  	v8 =	vsel vm0, v10, v8;
	v7 =	vsel vm15, v10, v7  }
.LBB2_68:
.Ltmp58:
0x29d: {  	(pc) =	sbr.rel @p0 .LBB2_69-.Ltmp58, $2  }
0x29e: {  	_ =	sdelay $0x2  }
0x29f: {  	s21 =	simm.s32 $0x0  }
0x2a0: {  	s20 =	simm.s32 $0x10400  }
0x2a1: {  	p6 =	sne.s32 s19, $0x1;
	v11 =	vld [tilespmem:s20+$0x0]  }
.Ltmp59:
0x2a2: {  	_ = 	snop;
	(pc) =	sbr.rel @!p6 .LBB2_72-.Ltmp59, $4  }
0x2a3: {  	_ = 	snop  }
0x2a4: {  	v10 =	vor.u32 s21, v0  }
0x2a5: {  	vm0 =	vlt.s32 v10, v9  }
0x2a6: {  	s22 =	sadd.s32 $0xFFFFFFFF, s19;
	s23 =	simm.s32 $0x10410;
	v10 =	vimm.f32 $3.000000010e+38;
	v11 =	vnsel vm0, $0x7F61B1E6, v11  }
.LBB2_71:
0x2a7: {  	v12 =	vld [tilespmem:s23+$0x0];
	p1 =	sne.s32 s22, $0x1;
	s22 =	sadd.s32 $0xFFFFFFFF, s22;
	v10 =	vmin.f32 v10, v11  }
.Ltmp60:
0x2a8: {  	(pc) =	sbr.rel @p1 .LBB2_71-.Ltmp60, $4  }
0x2a9: {  	s21 =	sadd.s32 $0x10, s21  }
0x2aa: {  	v11 =	vor.u32 s21, v0  }
0x2ab: {  	vm0 =	vlt.s32 v11, v9  }
0x2ac: {  	s23 =	sadd.s32 $0x10, s23;
	v11 =	vnsel vm0, $0x7F61B1E6, v12  }
.LBB2_72:
0x2ad: {  	v10 =	vmin.f32 v10, v11  }
0x2ae: {  	(xrf0) =	vmin.scan.msk.f32 $0xffff, v10;
	_ =	sdelay $0x2  }
.Ltmp61:
0x2af: {  	_ = 	snop;
	(pc) =	sbr.rel @!p6 .LBB2_73-.Ltmp61, $4  }
0x2b0: {  	_ = 	snop  }
0x2b1: {  	s21 =	simm.s32 $0x0  }
0x2b2: {  	s22 =	sadd.s32 $0xFFFFFFFF, s19;
	p1 =	por $0x0, $0x0;
	p2 =	por $0x0, $0x0;
	v10, _, _ =	vpop (xrf0)  }
0x2b3: {  	p3 =	por $0x0, $0x0;
	p4 =	por $0x0, $0x0;
	p5 =	por $0x0, $0x0;
	v10 =	vbroadcast v10, $0xF  }
0x2b4: {  	p6 =	sne.s32 s22, $0x1  }
.Ltmp62:
0x2b5: {  	_ = 	snop;
	(pc) =	sbr.rel @!p6 .LBB2_75-.Ltmp62, $2  }
0x2b6: {  	_ =	sdelay $0x2  }
0x2b7: {  	s22 =	sadd.s32 $0xFFFFFFFF, s22;
	p1 =	por $0x1, $0x1  }
0x2b8: {  	p6 =	sne.s32 s22, $0x1  }
.Ltmp63:
0x2b9: {  	_ = 	snop;
	(pc) =	sbr.rel @!p6 .LBB2_77-.Ltmp63, $2  }
0x2ba: {  	_ =	sdelay $0x2  }
0x2bb: {  	s22 =	sadd.s32 $0xFFFFFFFF, s22;
	p2 =	por $0x1, $0x1  }
0x2bc: {  	p6 =	sne.s32 s22, $0x1  }
.Ltmp64:
0x2bd: {  	_ = 	snop;
	(pc) =	sbr.rel @!p6 .LBB2_79-.Ltmp64, $3  }
0x2be: {  	_ =	sdelay $0x1  }
0x2bf: {  	v12 =	vor.u32 s21, v0  }
0x2c0: {  	v11 =	vld [tilespmem:s20+$0x0];
	s22 =	sadd.s32 $0xFFFFFFFF, s22;
	p3 =	por $0x1, $0x1;
	vm0 =	vlt.s32 v12, v9  }
0x2c1: {  	_ =	sdelay $0x2  }
0x2c2: {  	p6 =	sne.s32 s22, $0x1  }
.Ltmp65:
0x2c3: {  	v12 =	vnsel vm0, $0x7F61B1E6, v11;
	(pc) =	sbr.rel @!p6 .LBB2_81-.Ltmp65, $4  }
0x2c4: {  	vm1 =	veq.f32 v12, v10  }
0x2c5: {  	s23 =	simm.s32 $0x10;
	v12 =	vsel vm1, $0x7F61B1E6, v12  }
0x2c6: {  	s24 =	simm.s32 $0x10410;
	v14 =	vor.u32 s23, v0;
	v13 =	vsel vm1, $0x1, v2;
	[tilespmem:s20+$0x0] =	vst v12  }
0x2c7: {  	s22 =	sadd.s32 $0xFFFFFFFF, s22;
	p4 =	por $0x1, $0x1;
	vm1 =	vlt.s32 v14, v9;
	(xrf0) =	vadd.scan.msk.s32 $0xffff, v13;
	v12 =	vld [tilespmem:s24+$0x0]  }
0x2c8: {  	_ =	sdelay $0x3  }
0x2c9: {  	v13 =	vnsel vm1, $0x7F61B1E6, v12  }
0x2ca: {  	vm2 =	veq.f32 v13, v10  }
0x2cb: {  	v13 =	vsel vm2, $0x7F61B1E6, v13;
	_ =	sdelay $0x2  }
0x2cc: {  	[tilespmem:s24+$0x0] =	vst v13;
	v13, _, _ =	vpop (xrf0)  }
0x2cd: {  	(v2sf) =	vpush v13, $0xF  }
0x2ce: {  	v14 =	vsel vm2, $0x1, v2  }
0x2cf: {  	p6 =	sne.s32 s22, $0x1;
	s24 =	simm.s32 $0x10420;
	(xrf0) =	vadd.scan.msk.s32 $0xffff, v14  }
.Ltmp66:
0x2d0: {  	v13 =	vld [tilespmem:s24+$0x0];
	(pc) =	sbr.rel @!p6 .LBB2_83-.Ltmp66, $4  }
0x2d1: {  	_ = 	snop  }
0x2d2: {  	s23 =	simm.s32 $0x20  }
0x2d3: {  	v15 =	vor.u32 s23, v0  }
0x2d4: {  	s25 =	sadd.s32 $0xFFFFFFFF, s22;
	p5 =	por $0x1, $0x1;
	s22 =	simm.s32 $0x0;
	vm2 =	vlt.s32 v15, v9  }
.LBB2_84:
0x2d5: {  	p6 =	sne.s32 s25, $0x1;
	v13 =	vnsel vm2, $0x7F61B1E6, v13;
	v14, _, _ =	vpop (xrf0)  }
0x2d6: {  	vm2 =	veq.f32 v13, v10;
	(v2sf) =	vpush v14, $0xF  }
0x2d7: {  	v13 =	vsel vm2, $0x7F61B1E6, v13;
	v14 =	vsel vm2, $0x1, v2  }
0x2d8: {  	[tilespmem:s24+$0x0] =	vst v13;
	s24 =	sadd.s32 $0x10, s24;
	(xrf0) =	vadd.scan.msk.s32 $0xffff, v14  }
.Ltmp67:
0x2d9: {  	v13 =	vld [tilespmem:s24+$0x0];
	(pc) =	sbr.rel @p6 .LBB2_84-.Ltmp67, $4  }
0x2da: {  	_ = 	snop  }
0x2db: {  	s23 =	sadd.s32 $0x10, s23  }
0x2dc: {  	v14 =	vor.u32 s23, v0;
	s26 =	spop (v2sf)  }
0x2dd: {  	s25 =	sadd.s32 $0xFFFFFFFF, s25;
	vm2 =	vlt.s32 v14, v9;
	s22 =	sadd.s32 s22, s26  }
.LBB2_85:
0x2de: {  	v13 =	vnsel @p3 vm2, $0x7F61B1E6, v13  }
0x2df: {  	vm2 =	veq.f32 @p3 v13, v10  }
0x2e0: {  	s25 =	sadd.s32 @p3 $0x10, s24;
	s26 =	simm.s32 $0x10400;
	v13 =	vsel @p3 vm2, $0x7F61B1E6, v13  }
0x2e1: {  	s26 =	smov.u32 @p3 s25;
	[tilespmem:s24+$0x0] =	vst @p3 v13  }
0x2e2: {  	v13 =	vld @p2 [tilespmem:s26+$0x0]  }
0x2e3: {  	s23 =	sadd.s32 @p3 $0x10, s23;
	s24 =	simm.s32 $0x0  }
0x2e4: {  	s24 =	smov.u32 @p3 s23  }
0x2e5: {  	v14 =	vor.u32 @p2 s24, v0  }
0x2e6: {  	vm3 =	vlt.s32 @p2 v14, v9  }
0x2e7: {  	vm1 =	vmmov @p2 vm3;
	v12 =	vpsel p2, v13, v12  }
0x2e8: {  	v12 =	vnsel @p2 vm1, $0x7F61B1E6, v12  }
0x2e9: {  	vm1 =	veq.f32 @p2 v12, v10  }
0x2ea: {  	s25 =	simm.s32 $0x10400;
	s23 =	sadd.s32 @p2 $0x10, s26;
	v12 =	vsel @p2 vm1, $0x7F61B1E6, v12  }
0x2eb: {  	s25 =	smov.u32 @p2 s23;
	[tilespmem:s26+$0x0] =	vst @p2 v12  }
0x2ec: {  	v12 =	vld @p1 [tilespmem:s25+$0x0]  }
0x2ed: {  	s23 =	sadd.s32 @p2 $0x10, s24;
	s24 =	simm.s32 $0x0  }
0x2ee: {  	s24 =	smov.u32 @p2 s23  }
0x2ef: {  	v13 =	vor.u32 @p1 s24, v0  }
0x2f0: {  	vm3 =	vlt.s32 @p1 v13, v9  }
0x2f1: {  	vm0 =	vmmov @p1 vm3;
	v11 =	vpsel p1, v12, v11  }
0x2f2: {  	v11 =	vnsel @p1 vm0, $0x7F61B1E6, v11  }
0x2f3: {  	vm0 =	veq.f32 @p1 v11, v10  }
0x2f4: {  	s23 =	sadd.s32 @p1 $0x10, s25;
	v11 =	vsel @p1 vm0, $0x7F61B1E6, v11  }
0x2f5: {  	s20 =	smov.u32 @p1 s23;
	[tilespmem:s25+$0x0] =	vst @p1 v11  }
0x2f6: {  	v11 =	vld [tilespmem:s20+$0x0]  }
0x2f7: {  	s23 =	sadd.s32 @p1 $0x10, s24;
	s24 =	simm.s32 $0x0;
	v12 =	vsel @p3 vm2, $0x1, v2  }
0x2f8: {  	s24 =	smov.u32 @p1 s23;
	(xrf0) =	vadd.scan.msk.s32 @p3 $0xffff, v12  }
0x2f9: {  	v61 =	vor.u32 s24, v0;
	v12 =	vsel @p2 vm1, $0x1, v2  }
0x2fa: {  	vm14 =	vlt.s32 v61, v9;
	(xrf0) =	vadd.scan.msk.s32 @p2 $0xffff, v12  }
0x2fb: {  	v12 =	vsel @p1 vm0, $0x1, v2;
	v11 =	vnsel vm14, $0x7F61B1E6, v11  }
0x2fc: {  	v13, _, _ =	vpop @p4 (xrf0);
	(xrf0) =	vadd.scan.msk.s32 @p1 $0xffff, v12;
	vm15 =	veq.f32 v11, v10  }
0x2fd: {  	(v2sf) =	vpush @p4 v13, $0xF;
	v62 =	vsel vm15, $0x1, v2  }
0x2fe: {  	v13, _, _ =	vpop @p3 (xrf0);
	(xrf0) =	vadd.scan.msk.s32 $0xffff, v62  }
0x2ff: {  	(v2sf) =	vpush @p3 v13, $0xF  }
0x300: {  	v12, _, _ =	vpop @p2 (xrf0)  }
0x301: {  	(v2sf) =	vpush @p2 v12, $0xF  }
0x302: {  	v12, _, _ =	vpop @p1 (xrf0)  }
0x303: {  	(v2sf) =	vpush @p1 v12, $0xF  }
0x304: {  	v63, _, _ =	vpop (xrf0)  }
0x305: {  	(v2sf) =	vpush v63, $0xF;
	_ =	sdelay $0x4  }
0x306: {  	s23 =	spop @p5 (v2sf)  }
0x307: {  	s22 =	sadd.s32 @p5 s22, s23;
	s23 =	simm.s32 $0x0  }
0x308: {  	s23 =	smov.u32 @p5 s22;
	s24 =	spop @p4 (v2sf)  }
0x309: {  	s22 =	sadd.s32 @p4 s23, s24;
	s23 =	simm.s32 $0x0  }
0x30a: {  	s23 =	smov.u32 @p4 s22;
	s24 =	spop @p3 (v2sf)  }
0x30b: {  	s22 =	sadd.s32 @p3 s23, s24;
	s23 =	simm.s32 $0x0  }
0x30c: {  	s24 =	spop @p2 (v2sf);
	s23 =	smov.u32 @p3 s22  }
0x30d: {  	s22 =	sadd.s32 @p2 s23, s24;
	s23 =	simm.s32 $0x0  }
0x30e: {  	s23 =	smov.u32 @p2 s22;
	s22 =	spop @p1 (v2sf)  }
.Ltmp68:
0x30f: {  	s22 =	sadd.s32 @p1 s23, s22;
	(pc) =	sbr.rel .LBB2_86-.Ltmp68, $4  }
0x310: {  	s21 =	smov.u32 @p1 s22;
	s31 =	spop (v2sf)  }
0x311: {  	s22 =	sadd.s32 s21, s31  }
0x312: {  	v11 =	vsel vm15, $0x7F61B1E6, v11;
	s21 =	smov.u32 s18;
	p1 =	slt.s32 s22, s18  }
0x313: {  	[tilespmem:s20+$0x0] =	vst v11;
	s21 =	smov.u32 @p1 s22  }
.LBB2_73:
.Ltmp69:
0x314: {  	(pc) =	sbr.rel .LBB2_85-.Ltmp69, $2  }
0x315: {  	_ =	sdelay $0x2  }
0x316: {  	s24 =	simm.s32 $0x10400;
	s23 =	simm.s32 $0x0;
	s22 =	simm.s32 $0x0  }
.LBB2_75:
.Ltmp70:
0x317: {  	(pc) =	sbr.rel .LBB2_85-.Ltmp70, $2  }
0x318: {  	_ =	sdelay $0x2  }
0x319: {  	s24 =	simm.s32 $0x10400;
	s23 =	simm.s32 $0x0;
	s22 =	simm.s32 $0x0  }
.LBB2_77:
.Ltmp71:
0x31a: {  	(pc) =	sbr.rel .LBB2_85-.Ltmp71, $2  }
0x31b: {  	_ =	sdelay $0x2  }
0x31c: {  	s24 =	simm.s32 $0x10400;
	s23 =	simm.s32 $0x0;
	s22 =	simm.s32 $0x0  }
.LBB2_79:
.Ltmp72:
0x31d: {  	_ = 	snop;
	(pc) =	sbr.rel .LBB2_85-.Ltmp72, $2  }
0x31e: {  	_ =	sdelay $0x2  }
0x31f: {  	vm2 =	vmmov vm0;
	s24 =	simm.s32 $0x10400;
	s23 =	simm.s32 $0x0;
	s22 =	simm.s32 $0x0;
	v13 =	vmov v11  }
.LBB2_81:
.Ltmp73:
0x320: {  	_ = 	snop;
	(pc) =	sbr.rel .LBB2_85-.Ltmp73, $2  }
0x321: {  	_ =	sdelay $0x2  }
0x322: {  	vm2 =	vmmov vm1;
	s22 =	simm.s32 $0x0;
	v13 =	vmov v12  }
.LBB2_83:
.Ltmp74:
0x323: {  	(pc) =	sbr.rel .LBB2_85-.Ltmp74, $2  }
0x324: {  	_ =	sdelay $0x2  }
0x325: {  	s22 =	simm.s32 $0x0  }
.LBB2_9:
.Ltmp75:
0x326: {  	(pc) =	sbr.rel .LBB2_22-.Ltmp75, $2  }
0x327: {  	_ =	sdelay $0x2  }
0x328: {  	s20 =	simm.s32 $0x0;
	s22 =	simm.s32 $0x10000  }
.LBB2_11:
.Ltmp76:
0x329: {  	(pc) =	sbr.rel .LBB2_22-.Ltmp76, $2  }
0x32a: {  	_ =	sdelay $0x2  }
0x32b: {  	v8 =	vmov v7;
	s20 =	simm.s32 $0x0;
	s22 =	simm.s32 $0x10000  }
.LBB2_13:
.Ltmp77:
0x32c: {  	(pc) =	sbr.rel .LBB2_22-.Ltmp77, $2  }
0x32d: {  	_ =	sdelay $0x2  }
0x32e: {  	v9 =	vmov v7;
	v8 =	vmov v11;
	s20 =	simm.s32 $0x0;
	s22 =	simm.s32 $0x10000  }
.LBB2_15:
.Ltmp78:
0x32f: {  	(pc) =	sbr.rel .LBB2_22-.Ltmp78, $2  }
0x330: {  	_ =	sdelay $0x2  }
0x331: {  	v9 =	vmovc v11;
	v8 =	vmov v10;
	s20 =	simm.s32 $0x0;
	s22 =	simm.s32 $0x10000;
	vm8 =	vmmov vm3;
	v16 =	vmov v7  }
.LBB2_17:
.Ltmp79:
0x332: {  	(pc) =	sbr.rel .LBB2_22-.Ltmp79, $3  }
0x333: {  	_ =	sdelay $0x1  }
0x334: {  	v12 =	vmov v13;
	vm9 =	vmmov vm7  }
0x335: {  	s20 =	simm.s32 $0x0;
	s22 =	simm.s32 $0x10000;
	vm8 =	vmmov vm5;
	vm2 =	vmmov vm4;
	v17 =	vmovc v7;
	v16 =	vmovc v11;
	v9 =	vmov v10  }
.LBB2_19:
.Ltmp80:
0x336: {  	(pc) =	sbr.rel .LBB2_22-.Ltmp80, $2  }
0x337: {  	_ =	sdelay $0x2  }
0x338: {  	v9 =	vmovc v8;
	s22 =	simm.s32 $0x10000;
	v17 =	vmov v11;
	v16 =	vmov v10;
	v8 =	vmov v18  }
.LBB2_89:
0x339: {  	_ =	sfence.sel $0x180000  }
0x33a: {  	[bflag:$0x0] =	sbarrier.arrive $0xFFFF  }
0x33b: {  	p0 =	sne.s32 s2, $0x0;
	_ =	strace $0x90000047  }
0x33c: {  	s0 =	sadd.s32 @!p0 $0x100000, s0;
	[bflag:$0x2] =	sbarrier.arrive $0xFFFF  }
0x33d: {  	[sflag:s0] =	ssyncadd.tile.s32 @!p0 $0x1;
	_ =	shalt  }
.Lfunc_end2:
_tile_overlayer_lowered:
.L_overlay_start_2:
0x33e: {  	(tag) =	ssettag $0x2  }
0x33f: {  	s0 =	rddreg [dreg:$0x0];
	s2 =	stileid.u32  }
0x340: {  	s1 =	rddreg [dreg:$0x1];
	p0 =	sne.s32 s2, $0x0  }
0x341: {  	s3 =	rddreg [dreg:$0x2];
	[bflag:$0x3] =	sbarrier.arrive $0xFFFF;
	s2 =	simm.s32 @!p0 $0x1C02  }
0x342: {  	[timem:s3], [sflag:s2] =	dma.local @!p0 [hbm:s0], s1  }
0x343: {  	s0 =	simm.s32 @!p0 $0x2  }
0x344: {  	_ =	swait.ge @!p0 [sflag:s0], s1  }
0x345: {  	s1 =	ssub.s32 @!p0 $0x0, s1;
	[sflag:s0] =	ssyncset.done @!p0 $0x0  }
0x346: {  	[sflag:s0] =	ssyncadd.s32 @!p0 s1  }
0x347: {  	[bflag:$0x3] =	sbarrier.arrive $0xFFFF  }
0x348: {  	_ =	shalt  }

</sc_bundles>
